<compile_context>
chip_gen: v7x
topology: tpu7x:2x2x1
jax: 0.10.2.dev20260603
libtpu: 0.0.44.dev20260713+nightly
codegen_flags: <defaults>
</compile_context>

<pallas_src>
import functools

import jax
import jax.numpy as jnp
from jax import lax
from jax.experimental import pallas as pl
from jax.experimental.pallas import tpu as pltpu
from jax.experimental.pallas import tpu_sc as plsc

N = 10000
E = 320000
F = 128
FH = F // 2
NC, NS = 2, 16
CHUNK = 128
NCHUNK = 160
NCHDEG = 80
NBUF = 5
NBUFD = 8
ZB = 128
PER_T = CHUNK * NCHUNK
EPAD = NS * PER_T
NPAD = 10240
RPT = NPAD // NS

_mesh = plsc.VectorSubcoreMesh(core_axis_name="c", subcore_axis_name="s")
_sc_params = pltpu.CompilerParams(use_tc_tiling_on_sc=False)


@functools.partial(
    pl.kernel,
    out_type=jax.ShapeDtypeStruct((NC, NPAD, 128), jnp.float32),
    mesh=_mesh,
    compiler_params=_sc_params,
    scratch_types=[
        pltpu.VMEM((NCHDEG, CHUNK), jnp.int32),
        pltpu.VMEM((CHUNK, 16), jnp.float32),
        pltpu.VMEM((ZB, 16), jnp.float32),
        pltpu.VMEM_SHARED((NPAD, 16), jnp.float32),
    ]
    + [pltpu.SemaphoreType.DMA] * NBUFD,
)
def _sc_degree(dst_hbm, out_hbm, idx_v, ones_v, zero_v, deg_sh, *sems):
    cid = lax.axis_index("c")
    sid = lax.axis_index("s")

    @pl.loop(0, CHUNK)
    def _(r):
        ones_v[r, :] = jnp.ones((16,), jnp.float32)

    @pl.loop(0, ZB)
    def _(r):
        zero_v[r, :] = jnp.zeros((16,), jnp.float32)

    base = sid * RPT
    @pl.loop(0, RPT // ZB)
    def _(z):
        pltpu.sync_copy(zero_v, deg_sh.at[pl.ds(base + z * ZB, ZB)])

    plsc.subcore_barrier()
    pltpu.sync_copy(dst_hbm.at[sid, pl.ds(cid * NCHDEG, NCHDEG)], idx_v)

    @pl.loop(0, NCHDEG, step=NBUFD)
    def _(j):
        for b in range(NBUFD):
            @pl.when(j > 0)
            def _():
                pltpu.make_async_copy(ones_v, deg_sh.at[idx_v.at[0]],
                                      sems[b]).wait()
            pltpu.async_copy(ones_v, deg_sh.at[idx_v.at[j + b]],
                             sems[b], add=True)

    for b in range(NBUFD):
        pltpu.make_async_copy(ones_v, deg_sh.at[idx_v.at[0]], sems[b]).wait()

    plsc.subcore_barrier()
    pltpu.sync_copy(deg_sh.at[pl.ds(base, RPT)],
                    out_hbm.at[cid, pl.ds(base, RPT), pl.ds(0, 16)])


@functools.partial(
    pl.kernel,
    out_type=jax.ShapeDtypeStruct((NC, NPAD, 128), jnp.float32),
    mesh=_mesh,
    compiler_params=_sc_params,
    scratch_types=[
        pltpu.VMEM((NCHUNK, CHUNK), jnp.int32),
        pltpu.VMEM((NCHUNK, CHUNK), jnp.int32),
        pltpu.VMEM((ZB, FH), jnp.float32),
        pltpu.VMEM_SHARED((NPAD, FH), jnp.float32),
    ]
    + [pltpu.VMEM((CHUNK, FH), jnp.float32)] * NBUF
    + [pltpu.SemaphoreType.DMA] * (2 * NBUF),
)
def _sc_aggregate(g_hbm, src_hbm, dst_hbm, out_hbm,
                  si_v, di_v, zero_v, acc_sh, *bufs_and_sems):
    rows = bufs_and_sems[:NBUF]
    gsem = bufs_and_sems[NBUF:2 * NBUF]
    ssem = bufs_and_sems[2 * NBUF:]
    cid = lax.axis_index("c")
    sid = lax.axis_index("s")
    base = sid * RPT

    @pl.loop(0, ZB)
    def _(r):
        @pl.loop(0, FH, step=16)
        def _(cc):
            zero_v[r, pl.ds(cc, 16)] = jnp.zeros((16,), jnp.float32)

    pltpu.sync_copy(src_hbm.at[cid, sid], si_v)
    pltpu.sync_copy(dst_hbm.at[sid], di_v)

    @pl.loop(0, RPT // ZB)
    def _(z):
        pltpu.sync_copy(zero_v, acc_sh.at[pl.ds(base + z * ZB, ZB)])

    plsc.subcore_barrier()

    @pl.loop(0, NCHUNK, step=NBUF)
    def _(j):
        for b in range(NBUF):
            @pl.when(j > 0)
            def _():
                pltpu.make_async_copy(rows[b], acc_sh.at[di_v.at[0]],
                                      ssem[b]).wait()
            pltpu.async_copy(g_hbm.at[si_v.at[j + b]], rows[b], gsem[b])
        for b in range(NBUF):
            pltpu.make_async_copy(g_hbm.at[si_v.at[0]], rows[b],
                                  gsem[b]).wait()
            pltpu.async_copy(rows[b], acc_sh.at[di_v.at[j + b]],
                             ssem[b], add=True)

    for b in range(NBUF):
        pltpu.make_async_copy(rows[b], acc_sh.at[di_v.at[0]],
                              ssem[b]).wait()

    plsc.subcore_barrier()
    pltpu.sync_copy(acc_sh.at[pl.ds(base, RPT)],
                    out_hbm.at[cid, pl.ds(base, RPT), pl.ds(0, FH)])


def _tc_matmul(x, W1):
    def body(x_ref, w_ref, h_ref):
        h_ref[...] = jnp.dot(x_ref[...], w_ref[...],
                             preferred_element_type=jnp.float32,
                             precision=lax.Precision.HIGHEST)

    blk = 2000
    return pl.pallas_call(
        body,
        grid=(N // blk,),
        in_specs=[
            pl.BlockSpec((blk, F), lambda i: (i, 0)),
            pl.BlockSpec((F, F), lambda i: (0, 0)),
        ],
        out_specs=pl.BlockSpec((blk, F), lambda i: (i, 0)),
        out_shape=jax.ShapeDtypeStruct((N, F), jnp.float32),
    )(x, W1)


def _tc_scale(h, hist):
    def body(h_ref, hi_ref, g_ref):
        deg = 1.0 + hi_ref[0, :, 0] + hi_ref[1, :, 0]
        dinv = lax.rsqrt(deg)
        g = h_ref[...] * dinv[:, None]
        g_ref[0] = g[:, :FH]
        g_ref[1] = g[:, FH:]

    blk = 2000
    return pl.pallas_call(
        body,
        grid=(N // blk,),
        in_specs=[
            pl.BlockSpec((blk, F), lambda i: (i, 0)),
            pl.BlockSpec((NC, blk, 128), lambda i: (0, i, 0)),
        ],
        out_specs=pl.BlockSpec((2, blk, FH), lambda i: (0, i, 0)),
        out_shape=jax.ShapeDtypeStruct((2, N, FH), jnp.float32),
    )(h, hist)


def _tc_finish(p, g, hist, b2):
    def body(p_ref, g_ref, h_ref, b_ref, o_ref):
        deg = 1.0 + h_ref[0, :, 0] + h_ref[1, :, 0]
        dinv = lax.rsqrt(deg)
        s0 = p_ref[0, :, :FH] + g_ref[0]
        s1 = p_ref[1, :, :FH] + g_ref[1]
        s = jnp.concatenate([s0, s1], axis=1)
        o_ref[...] = jnp.maximum(s * dinv[:, None] + b_ref[...], 0.0)

    blk = 2000
    return pl.pallas_call(
        body,
        grid=(N // blk,),
        in_specs=[
            pl.BlockSpec((NC, blk, 128), lambda i: (0, i, 0)),
            pl.BlockSpec((2, blk, FH), lambda i: (0, i, 0)),
            pl.BlockSpec((NC, blk, 128), lambda i: (0, i, 0)),
            pl.BlockSpec((1, F), lambda i: (0, 0)),
        ],
        out_specs=pl.BlockSpec((blk, F), lambda i: (i, 0)),
        out_shape=jax.ShapeDtypeStruct((N, F), jnp.float32),
    )(p, g, hist, b2)


def kernel(x, edge_index, W1, b1):
    npad = EPAD - E
    ei = edge_index.astype(jnp.int32).reshape(2, E // 128, 128)
    ar = jnp.arange(npad, dtype=jnp.int32).reshape(npad // 128, 128)
    pads = jnp.stack([ar % 128, N + (ar % (NPAD - N))])
    eip = jnp.concatenate([ei, pads], axis=1)
    srcb = jnp.stack([eip[0], eip[0] + N]).reshape(NC, NS, NCHUNK, CHUNK)
    dst3 = eip[1].reshape(NS, NCHUNK, CHUNK)

    hist = _sc_degree(dst3)
    h = _tc_matmul(x, W1)
    g = _tc_scale(h, hist)
    p = _sc_aggregate(g.reshape(2 * N, FH), srcb, dst3)
    return _tc_finish(p, g, hist, b1.reshape(1, F))

# --- scband reference (transcript-rebuilt; emitter-appended) ---
"""Pipeline reference for scband-main-view-encoder-32693291057234 (READ-ONLY COPY).

The authoritative reference and input builder live on the scoring server;
editing this copy changes nothing except your own understanding.
"""

import jax, jax.numpy as jnp
import numpy as np

N_NODES = 10000
N_EDGES = 320000
NFEAT = 128
NHID = 128


def gcn_conv(x, edge_index, W, b):
    n = x.shape[0]
    src = edge_index[0]
    dst = edge_index[1]
    # add self-loops (PyG GCNConv default add_self_loops=True)
    loop = jnp.arange(n, dtype=edge_index.dtype)
    src = jnp.concatenate([src, loop])
    dst = jnp.concatenate([dst, loop])
    # symmetric normalization: deg computed on dst (col), norm = d^-1/2[src] * d^-1/2[dst]
    ones = jnp.ones(src.shape[0], dtype=x.dtype)
    deg = jnp.zeros((n,), dtype=x.dtype).at[dst].add(ones)
    deg_inv_sqrt = jnp.where(deg > 0, 1.0 / jnp.sqrt(deg), 0.0)
    norm = deg_inv_sqrt[src] * deg_inv_sqrt[dst]
    # linear transform then message passing (gather from src, scatter-add to dst)
    h = x @ W
    msg = h[src] * norm[:, None]
    out = jnp.zeros((n, W.shape[1]), dtype=x.dtype).at[dst].add(msg)
    return out + b


def setup_inputs(seed: int = 0) -> dict:
    key = jax.random.key(seed)
    k1, k2, k3, k4 = jax.random.split(key, 4)
    x = jax.random.normal(k1, (N_NODES, NFEAT), dtype=jnp.float32)
    edge_index = jax.random.randint(k2, (2, N_EDGES), 0, N_NODES, dtype=jnp.int64)
    # gc1 parameters (gc2 is defined in __init__ but unused in forward)
    limit = 1.0 / np.sqrt(NFEAT)
    W1 = jax.random.uniform(k3, (NFEAT, NHID), dtype=jnp.float32, minval=-limit, maxval=limit)
    b1 = jnp.zeros((NHID,), dtype=jnp.float32)
    return {"x": x, "edge_index": edge_index, "W1": W1, "b1": b1}


def reference(x, edge_index, W1, b1):
    # MainViewEncoder.forward: x = gc1(x, edge_index); x = relu(x); return x
    h = gcn_conv(x, edge_index, W1, b1)
    return jax.nn.relu(h)

if __name__ == "__main__":
    import jax
    _d = setup_inputs()
    print(jax.jit(kernel)(*tuple(_d.values())))

</pallas_src>

<mosaic_0001>
#map = affine_map<(d0, d1) -> (0, 0)>
#map1 = affine_map<(d0, d1) -> (0, 0, 0, 0)>
#map2 = affine_map<(d0, d1) -> (0, 0, 0)>
module attributes {stable_mosaic.version = 14 : i64} {
  func.func @_sc_aggregate(%arg0: i32, %arg1: i32, %arg2: memref<20000x64xf32, #tpu.memory_space<hbm>>, %arg3: memref<2x16x160x128xi32, #tpu.memory_space<hbm>>, %arg4: memref<16x160x128xi32, #tpu.memory_space<hbm>>, %arg5: memref<2x10240x128xf32, #tpu.memory_space<hbm>>, %arg6: memref<160x128xi32, #tpu.memory_space<vmem>>, %arg7: memref<160x128xi32, #tpu.memory_space<vmem>>, %arg8: memref<128x64xf32, #tpu.memory_space<vmem>>, %arg9: memref<10240x64xf32, #tpu.memory_space<vmem_shared>>, %arg10: memref<128x64xf32, #tpu.memory_space<vmem>>, %arg11: memref<128x64xf32, #tpu.memory_space<vmem>>, %arg12: memref<128x64xf32, #tpu.memory_space<vmem>>, %arg13: memref<128x64xf32, #tpu.memory_space<vmem>>, %arg14: memref<128x64xf32, #tpu.memory_space<vmem>>, %arg15: memref<!tpu.dma_semaphore, #tpu.memory_space<semaphore_mem>>, %arg16: memref<!tpu.dma_semaphore, #tpu.memory_space<semaphore_mem>>, %arg17: memref<!tpu.dma_semaphore, #tpu.memory_space<semaphore_mem>>, %arg18: memref<!tpu.dma_semaphore, #tpu.memory_space<semaphore_mem>>, %arg19: memref<!tpu.dma_semaphore, #tpu.memory_space<semaphore_mem>>, %arg20: memref<!tpu.dma_semaphore, #tpu.memory_space<semaphore_mem>>, %arg21: memref<!tpu.dma_semaphore, #tpu.memory_space<semaphore_mem>>, %arg22: memref<!tpu.dma_semaphore, #tpu.memory_space<semaphore_mem>>, %arg23: memref<!tpu.dma_semaphore, #tpu.memory_space<semaphore_mem>>, %arg24: memref<!tpu.dma_semaphore, #tpu.memory_space<semaphore_mem>>) attributes {dimension_semantics = [#tpu.dimension_semantics<core_parallel>, #tpu.dimension_semantics<subcore_parallel>], iteration_bounds = array<i64: 2, 16>, scalar_prefetch = 0 : i64, scratch_operands = 19 : i64, tpu.core_type = #tpu.core_type<sc_vector_subcore>, window_params = [{transform_indices = #map}, {transform_indices = #map1}, {transform_indices = #map2}, {transform_indices = #map2}]} {
    %mul3A = arith.constant 640 : i32
    %mul3A_0 = arith.muli %arg1, %mul3A : i32
    %scan3A = arith.constant 0 : i32
    %scan3A_1 = arith.constant 128 : i32
    %scan3A_2 = arith.addi %scan3A, %scan3A_1 : i32
    %scan3A_3 = arith.constant 1 : i32
    scf.for %scan3A_50 = %scan3A to %scan3A_2 step %scan3A_3  : i32 {
      %mul3A_51 = arith.constant 1 : i32
      %mul3A_52 = arith.muli %scan3A_50, %mul3A_51 : i32
      %add3A = arith.constant 0 : i32
      %add3A_53 = arith.addi %add3A, %mul3A_52 : i32
      %scan3A_54 = arith.constant 0 : i32
      %scan3A_55 = arith.constant 4 : i32
      %scan3A_56 = arith.addi %scan3A_54, %scan3A_55 : i32
      %scan3A_57 = arith.constant 1 : i32
      scf.for %scan3A_59 = %scan3A_54 to %scan3A_56 step %scan3A_57  : i32 {
        %mul3A_60 = arith.constant 16 : i32
        %mul3A_61 = arith.muli %scan3A_59, %mul3A_60 : i32
        %add3A_62 = arith.constant 0 : i32
        %add3A_63 = arith.addi %add3A_62, %mul3A_61 : i32
        %broadcast_in_dim3A = arith.constant 0.000000e+00 : f32
        %broadcast_in_dim3A_64 = vector.broadcast %broadcast_in_dim3A : f32 to vector<16xf32>
        %swap3A = arith.index_cast %add3A_53 : i32 to index
        %swap3A_65 = arith.index_cast %add3A_63 : i32 to index
        %swap3A_66 = tpu.vector_load %arg8[%swap3A, %swap3A_65] {strides = array<i32>} : memref<128x64xf32, #tpu.memory_space<vmem>>, vector<1x16xf32>,
        %swap3A_67 = vector.shape_cast %swap3A_66 : vector<1x16xf32> to vector<16xf32>
        %swap3A_68 = vector.shape_cast %broadcast_in_dim3A_64 : vector<16xf32> to vector<1x16xf32>
        tpu.vector_store %arg8[%swap3A, %swap3A_65], %swap3A_68 {strides = array<i32>} : memref<128x64xf32, #tpu.memory_space<vmem>>, vector<1x16xf32>,
      }
      %scan3A_58 = arith.constant 4 : i32
    }
    %scan3A_4 = arith.constant 128 : i32
    "tpu.region"() ({
      %run_scoped3A = tpu.sem_alloc : memref<!tpu.dma_semaphore, #tpu.memory_space<semaphore_mem>>
      %dma_start3A = arith.constant 0 : i32
      %dma_start3A_50 = arith.constant 0 : i32
      %dma_start3A_51 = tpu.memref_slice %arg3[%arg0, %arg1, %dma_start3A, %dma_start3A_50] : memref<2x16x160x128xi32, #tpu.memory_space<hbm>> -> memref<1x1x160x128xi32, #tpu.memory_space<hbm>>
      %dma_start3A_52 = tpu.memref_squeeze %dma_start3A_51 : memref<1x1x160x128xi32, #tpu.memory_space<hbm>> -> memref<160x128xi32, #tpu.memory_space<hbm>>
      %dma_start3A_53 = arith.constant 0 : i32
      %dma_start3A_54 = arith.constant 0 : i32
      %dma_start3A_55 = tpu.memref_slice %arg3[%arg0, %arg1, %dma_start3A_53, %dma_start3A_54] : memref<2x16x160x128xi32, #tpu.memory_space<hbm>> -> memref<1x1x160x128xi32, #tpu.memory_space<hbm>>
      %dma_start3A_56 = tpu.memref_squeeze %dma_start3A_55 : memref<1x1x160x128xi32, #tpu.memory_space<hbm>> -> memref<160x128xi32, #tpu.memory_space<hbm>>
      tpu.enqueue_dma source(%dma_start3A_56 : memref<160x128xi32, #tpu.memory_space<hbm>>) target(%arg6 : memref<160x128xi32, #tpu.memory_space<vmem>>) target_semaphore(%run_scoped3A : memref<!tpu.dma_semaphore, #tpu.memory_space<semaphore_mem>>)
      %dma_wait3A_57 = arith.constant 0 : i32
      %dma_wait3A_58 = arith.constant 0 : i32
      %dma_wait3A_59 = tpu.memref_slice %arg3[%arg0, %arg1, %dma_wait3A_57, %dma_wait3A_58] : memref<2x16x160x128xi32, #tpu.memory_space<hbm>> -> memref<1x1x160x128xi32, #tpu.memory_space<hbm>>
      %dma_wait3A_60 = tpu.memref_squeeze %dma_wait3A_59 : memref<1x1x160x128xi32, #tpu.memory_space<hbm>> -> memref<160x128xi32, #tpu.memory_space<hbm>>
      %dma_wait3A_61 = arith.constant 0 : i32
      %dma_wait3A_62 = arith.constant 0 : i32
      %dma_wait3A_63 = tpu.memref_slice %arg3[%arg0, %arg1, %dma_wait3A_61, %dma_wait3A_62] : memref<2x16x160x128xi32, #tpu.memory_space<hbm>> -> memref<1x1x160x128xi32, #tpu.memory_space<hbm>>
      %dma_wait3A_64 = tpu.memref_squeeze %dma_wait3A_63 : memref<1x1x160x128xi32, #tpu.memory_space<hbm>> -> memref<160x128xi32, #tpu.memory_space<hbm>>
      tpu.wait_dma2 semaphore(%run_scoped3A : memref<!tpu.dma_semaphore, #tpu.memory_space<semaphore_mem>>) src(%dma_wait3A_64 : memref<160x128xi32, #tpu.memory_space<hbm>>) dst(%arg6 : memref<160x128xi32, #tpu.memory_space<vmem>>)
      tpu.yield
    }) : () -> ()
    "tpu.region"() ({
      %run_scoped3A = tpu.sem_alloc : memref<!tpu.dma_semaphore, #tpu.memory_space<semaphore_mem>>
      %dma_start3A = arith.constant 0 : i32
      %dma_start3A_50 = arith.constant 0 : i32
      %dma_start3A_51 = tpu.memref_slice %arg4[%arg1, %dma_start3A, %dma_start3A_50] : memref<16x160x128xi32, #tpu.memory_space<hbm>> -> memref<1x160x128xi32, #tpu.memory_space<hbm>>
      %dma_start3A_52 = tpu.memref_squeeze %dma_start3A_51 : memref<1x160x128xi32, #tpu.memory_space<hbm>> -> memref<160x128xi32, #tpu.memory_space<hbm>>
      %dma_start3A_53 = arith.constant 0 : i32
      %dma_start3A_54 = arith.constant 0 : i32
      %dma_start3A_55 = tpu.memref_slice %arg4[%arg1, %dma_start3A_53, %dma_start3A_54] : memref<16x160x128xi32, #tpu.memory_space<hbm>> -> memref<1x160x128xi32, #tpu.memory_space<hbm>>
      %dma_start3A_56 = tpu.memref_squeeze %dma_start3A_55 : memref<1x160x128xi32, #tpu.memory_space<hbm>> -> memref<160x128xi32, #tpu.memory_space<hbm>>
      tpu.enqueue_dma source(%dma_start3A_56 : memref<160x128xi32, #tpu.memory_space<hbm>>) target(%arg7 : memref<160x128xi32, #tpu.memory_space<vmem>>) target_semaphore(%run_scoped3A : memref<!tpu.dma_semaphore, #tpu.memory_space<semaphore_mem>>)
      %dma_wait3A_57 = arith.constant 0 : i32
      %dma_wait3A_58 = arith.constant 0 : i32
      %dma_wait3A_59 = tpu.memref_slice %arg4[%arg1, %dma_wait3A_57, %dma_wait3A_58] : memref<16x160x128xi32, #tpu.memory_space<hbm>> -> memref<1x160x128xi32, #tpu.memory_space<hbm>>
      %dma_wait3A_60 = tpu.memref_squeeze %dma_wait3A_59 : memref<1x160x128xi32, #tpu.memory_space<hbm>> -> memref<160x128xi32, #tpu.memory_space<hbm>>
      %dma_wait3A_61 = arith.constant 0 : i32
      %dma_wait3A_62 = arith.constant 0 : i32
      %dma_wait3A_63 = tpu.memref_slice %arg4[%arg1, %dma_wait3A_61, %dma_wait3A_62] : memref<16x160x128xi32, #tpu.memory_space<hbm>> -> memref<1x160x128xi32, #tpu.memory_space<hbm>>
      %dma_wait3A_64 = tpu.memref_squeeze %dma_wait3A_63 : memref<1x160x128xi32, #tpu.memory_space<hbm>> -> memref<160x128xi32, #tpu.memory_space<hbm>>
      tpu.wait_dma2 semaphore(%run_scoped3A : memref<!tpu.dma_semaphore, #tpu.memory_space<semaphore_mem>>) src(%dma_wait3A_64 : memref<160x128xi32, #tpu.memory_space<hbm>>) dst(%arg7 : memref<160x128xi32, #tpu.memory_space<vmem>>)
      tpu.yield
    }) : () -> ()
    %scan3A_5 = arith.constant 0 : i32
    %scan3A_6 = arith.constant 5 : i32
    %scan3A_7 = arith.addi %scan3A_5, %scan3A_6 : i32
    %scan3A_8 = arith.constant 1 : i32
    scf.for %scan3A_50 = %scan3A_5 to %scan3A_7 step %scan3A_8  : i32 {
      %mul3A_51 = arith.constant 1 : i32
      %mul3A_52 = arith.muli %scan3A_50, %mul3A_51 : i32
      %add3A = arith.constant 0 : i32
      %add3A_53 = arith.addi %add3A, %mul3A_52 : i32
      %mul3A_54 = arith.constant 128 : i32
      %mul3A_55 = arith.muli %add3A_53, %mul3A_54 : i32
      %add3A_56 = arith.addi %mul3A_0, %mul3A_55 : i32
      "tpu.region"() ({
        %run_scoped3A = tpu.sem_alloc : memref<!tpu.dma_semaphore, #tpu.memory_space<semaphore_mem>>
        %dma_start3A = arith.constant 0 : i32
        %dma_start3A_57 = tpu.memref_slice %arg9[%add3A_56, %dma_start3A] : memref<10240x64xf32, #tpu.memory_space<vmem_shared>> -> memref<128x64xf32, #tpu.memory_space<vmem_shared>>
        %dma_start3A_58 = arith.constant 0 : i32
        %dma_start3A_59 = tpu.memref_slice %arg9[%add3A_56, %dma_start3A_58] : memref<10240x64xf32, #tpu.memory_space<vmem_shared>> -> memref<128x64xf32, #tpu.memory_space<vmem_shared>>
        tpu.enqueue_dma source(%arg8 : memref<128x64xf32, #tpu.memory_space<vmem>>) target(%dma_start3A_59 : memref<128x64xf32, #tpu.memory_space<vmem_shared>>) target_semaphore(%run_scoped3A : memref<!tpu.dma_semaphore, #tpu.memory_space<semaphore_mem>>)
        %dma_wait3A_60 = arith.constant 0 : i32
        %dma_wait3A_61 = tpu.memref_slice %arg9[%add3A_56, %dma_wait3A_60] : memref<10240x64xf32, #tpu.memory_space<vmem_shared>> -> memref<128x64xf32, #tpu.memory_space<vmem_shared>>
        %dma_wait3A_62 = arith.constant 0 : i32
        %dma_wait3A_63 = tpu.memref_slice %arg9[%add3A_56, %dma_wait3A_62] : memref<10240x64xf32, #tpu.memory_space<vmem_shared>> -> memref<128x64xf32, #tpu.memory_space<vmem_shared>>
        tpu.wait_dma2 semaphore(%run_scoped3A : memref<!tpu.dma_semaphore, #tpu.memory_space<semaphore_mem>>) src(%arg8 : memref<128x64xf32, #tpu.memory_space<vmem>>) dst(%dma_wait3A_63 : memref<128x64xf32, #tpu.memory_space<vmem_shared>>)
        tpu.yield
      }) : () -> ()
    }
    %scan3A_9 = arith.constant 5 : i32
    %barrier3A = arith.constant 0 : index
    tpu.barrier barrier_id(%barrier3A)
    %scan3A_10 = arith.constant 0 : i32
    %scan3A_11 = arith.constant 32 : i32
    %scan3A_12 = arith.addi %scan3A_10, %scan3A_11 : i32
    %scan3A_13 = arith.constant 1 : i32
    scf.for %scan3A_50 = %scan3A_10 to %scan3A_12 step %scan3A_13  : i32 {
      %mul3A_51 = arith.constant 5 : i32
      %mul3A_52 = arith.muli %scan3A_50, %mul3A_51 : i32
      %add3A = arith.constant 0 : i32
      %add3A_53 = arith.addi %add3A, %mul3A_52 : i32
      %gt3A = arith.constant 0 : i32
      %gt3A_54 = arith.cmpi sgt, %add3A_53, %gt3A : i32
      %convert_element_type3A = arith.extui %gt3A_54 : i1 to i32
      %cond3A = arith.constant 0 : i32
      %cond3A_55 = arith.cmpi ne, %convert_element_type3A, %cond3A : i32
      scf.if %cond3A_55 {
        %dma_wait3A_190 = arith.constant 0 : i32
        %dma_wait3A_191 = arith.constant 0 : i32
        %dma_wait3A_192 = tpu.memref_slice %arg7[%dma_wait3A_190, %dma_wait3A_191] : memref<160x128xi32, #tpu.memory_space<vmem>> -> memref<1x128xi32, #tpu.memory_space<vmem>>
        %dma_wait3A_193 = tpu.memref_squeeze %dma_wait3A_192 : memref<1x128xi32, #tpu.memory_space<vmem>> -> memref<128xi32, #tpu.memory_space<vmem>>
        %dma_wait3A_194 = arith.constant 0 : i32
        %dma_wait3A_195 = arith.constant 0 : i32
        %dma_wait3A_196 = tpu.memref_slice %arg9[%dma_wait3A_194, %dma_wait3A_195] : memref<10240x64xf32, #tpu.memory_space<vmem_shared>> -> memref<10240x64xf32, #tpu.memory_space<vmem_shared>>
        tpu.wait_indirect_dma semaphore(%arg20 : memref<!tpu.dma_semaphore, #tpu.memory_space<semaphore_mem>>) src(%arg10 : memref<128x64xf32, #tpu.memory_space<vmem>>) dst(%dma_wait3A_196 : memref<10240x64xf32, #tpu.memory_space<vmem_shared>>)
      } else {
      }
      %add3A_56 = arith.constant 0 : i32
      %add3A_57 = arith.addi %add3A_53, %add3A_56 : i32
      %dma_start3A = arith.constant 0 : i32
      %dma_start3A_58 = tpu.memref_slice %arg6[%add3A_57, %dma_start3A] : memref<160x128xi32, #tpu.memory_space<vmem>> -> memref<1x128xi32, #tpu.memory_space<vmem>>
      %dma_start3A_59 = tpu.memref_squeeze %dma_start3A_58 : memref<1x128xi32, #tpu.memory_space<vmem>> -> memref<128xi32, #tpu.memory_space<vmem>>
      %dma_start3A_60 = arith.constant 0 : i32
      %dma_start3A_61 = arith.constant 0 : i32
      %dma_start3A_62 = tpu.memref_slice %arg2[%dma_start3A_60, %dma_start3A_61] : memref<20000x64xf32, #tpu.memory_space<hbm>> -> memref<20000x64xf32, #tpu.memory_space<hbm>>
      tpu.enqueue_indirect_dma source(%dma_start3A_62 : memref<20000x64xf32, #tpu.memory_space<hbm>>) target(%arg10 : memref<128x64xf32, #tpu.memory_space<vmem>>) offsets(%dma_start3A_59 : memref<128xi32, #tpu.memory_space<vmem>>) semaphore(%arg15 : memref<!tpu.dma_semaphore, #tpu.memory_space<semaphore_mem>>)
      %gt3A_63 = arith.constant 0 : i32
      %gt3A_64 = arith.cmpi sgt, %add3A_53, %gt3A_63 : i32
      %convert_element_type3A_65 = arith.extui %gt3A_64 : i1 to i32
      %cond3A_66 = arith.constant 0 : i32
      %cond3A_67 = arith.cmpi ne, %convert_element_type3A_65, %cond3A_66 : i32
      scf.if %cond3A_67 {
        %dma_wait3A_190 = arith.constant 0 : i32
        %dma_wait3A_191 = arith.constant 0 : i32
        %dma_wait3A_192 = tpu.memref_slice %arg7[%dma_wait3A_190, %dma_wait3A_191] : memref<160x128xi32, #tpu.memory_space<vmem>> -> memref<1x128xi32, #tpu.memory_space<vmem>>
        %dma_wait3A_193 = tpu.memref_squeeze %dma_wait3A_192 : memref<1x128xi32, #tpu.memory_space<vmem>> -> memref<128xi32, #tpu.memory_space<vmem>>
        %dma_wait3A_194 = arith.constant 0 : i32
        %dma_wait3A_195 = arith.constant 0 : i32
        %dma_wait3A_196 = tpu.memref_slice %arg9[%dma_wait3A_194, %dma_wait3A_195] : memref<10240x64xf32, #tpu.memory_space<vmem_shared>> -> memref<10240x64xf32, #tpu.memory_space<vmem_shared>>
        tpu.wait_indirect_dma semaphore(%arg21 : memref<!tpu.dma_semaphore, #tpu.memory_space<semaphore_mem>>) src(%arg11 : memref<128x64xf32, #tpu.memory_space<vmem>>) dst(%dma_wait3A_196 : memref<10240x64xf32, #tpu.memory_space<vmem_shared>>)
      } else {
      }
      %add3A_68 = arith.constant 1 : i32
      %add3A_69 = arith.addi %add3A_53, %add3A_68 : i32
      %dma_start3A_70 = arith.constant 0 : i32
      %dma_start3A_71 = tpu.memref_slice %arg6[%add3A_69, %dma_start3A_70] : memref<160x128xi32, #tpu.memory_space<vmem>> -> memref<1x128xi32, #tpu.memory_space<vmem>>
      %dma_start3A_72 = tpu.memref_squeeze %dma_start3A_71 : memref<1x128xi32, #tpu.memory_space<vmem>> -> memref<128xi32, #tpu.memory_space<vmem>>
      %dma_start3A_73 = arith.constant 0 : i32
      %dma_start3A_74 = arith.constant 0 : i32
      %dma_start3A_75 = tpu.memref_slice %arg2[%dma_start3A_73, %dma_start3A_74] : memref<20000x64xf32, #tpu.memory_space<hbm>> -> memref<20000x64xf32, #tpu.memory_space<hbm>>
      tpu.enqueue_indirect_dma source(%dma_start3A_75 : memref<20000x64xf32, #tpu.memory_space<hbm>>) target(%arg11 : memref<128x64xf32, #tpu.memory_space<vmem>>) offsets(%dma_start3A_72 : memref<128xi32, #tpu.memory_space<vmem>>) semaphore(%arg16 : memref<!tpu.dma_semaphore, #tpu.memory_space<semaphore_mem>>)
      %gt3A_76 = arith.constant 0 : i32
      %gt3A_77 = arith.cmpi sgt, %add3A_53, %gt3A_76 : i32
      %convert_element_type3A_78 = arith.extui %gt3A_77 : i1 to i32
      %cond3A_79 = arith.constant 0 : i32
      %cond3A_80 = arith.cmpi ne, %convert_element_type3A_78, %cond3A_79 : i32
      scf.if %cond3A_80 {
        %dma_wait3A_190 = arith.constant 0 : i32
        %dma_wait3A_191 = arith.constant 0 : i32
        %dma_wait3A_192 = tpu.memref_slice %arg7[%dma_wait3A_190, %dma_wait3A_191] : memref<160x128xi32, #tpu.memory_space<vmem>> -> memref<1x128xi32, #tpu.memory_space<vmem>>
        %dma_wait3A_193 = tpu.memref_squeeze %dma_wait3A_192 : memref<1x128xi32, #tpu.memory_space<vmem>> -> memref<128xi32, #tpu.memory_space<vmem>>
        %dma_wait3A_194 = arith.constant 0 : i32
        %dma_wait3A_195 = arith.constant 0 : i32
        %dma_wait3A_196 = tpu.memref_slice %arg9[%dma_wait3A_194, %dma_wait3A_195] : memref<10240x64xf32, #tpu.memory_space<vmem_shared>> -> memref<10240x64xf32, #tpu.memory_space<vmem_shared>>
        tpu.wait_indirect_dma semaphore(%arg22 : memref<!tpu.dma_semaphore, #tpu.memory_space<semaphore_mem>>) src(%arg12 : memref<128x64xf32, #tpu.memory_space<vmem>>) dst(%dma_wait3A_196 : memref<10240x64xf32, #tpu.memory_space<vmem_shared>>)
      } else {
      }
      %add3A_81 = arith.constant 2 : i32
      %add3A_82 = arith.addi %add3A_53, %add3A_81 : i32
      %dma_start3A_83 = arith.constant 0 : i32
      %dma_start3A_84 = tpu.memref_slice %arg6[%add3A_82, %dma_start3A_83] : memref<160x128xi32, #tpu.memory_space<vmem>> -> memref<1x128xi32, #tpu.memory_space<vmem>>
      %dma_start3A_85 = tpu.memref_squeeze %dma_start3A_84 : memref<1x128xi32, #tpu.memory_space<vmem>> -> memref<128xi32, #tpu.memory_space<vmem>>
      %dma_start3A_86 = arith.constant 0 : i32
      %dma_start3A_87 = arith.constant 0 : i32
      %dma_start3A_88 = tpu.memref_slice %arg2[%dma_start3A_86, %dma_start3A_87] : memref<20000x64xf32, #tpu.memory_space<hbm>> -> memref<20000x64xf32, #tpu.memory_space<hbm>>
      tpu.enqueue_indirect_dma source(%dma_start3A_88 : memref<20000x64xf32, #tpu.memory_space<hbm>>) target(%arg12 : memref<128x64xf32, #tpu.memory_space<vmem>>) offsets(%dma_start3A_85 : memref<128xi32, #tpu.memory_space<vmem>>) semaphore(%arg17 : memref<!tpu.dma_semaphore, #tpu.memory_space<semaphore_mem>>)
      %gt3A_89 = arith.constant 0 : i32
      %gt3A_90 = arith.cmpi sgt, %add3A_53, %gt3A_89 : i32
      %convert_element_type3A_91 = arith.extui %gt3A_90 : i1 to i32
      %cond3A_92 = arith.constant 0 : i32
      %cond3A_93 = arith.cmpi ne, %convert_element_type3A_91, %cond3A_92 : i32
      scf.if %cond3A_93 {
        %dma_wait3A_190 = arith.constant 0 : i32
        %dma_wait3A_191 = arith.constant 0 : i32
        %dma_wait3A_192 = tpu.memref_slice %arg7[%dma_wait3A_190, %dma_wait3A_191] : memref<160x128xi32, #tpu.memory_space<vmem>> -> memref<1x128xi32, #tpu.memory_space<vmem>>
        %dma_wait3A_193 = tpu.memref_squeeze %dma_wait3A_192 : memref<1x128xi32, #tpu.memory_space<vmem>> -> memref<128xi32, #tpu.memory_space<vmem>>
        %dma_wait3A_194 = arith.constant 0 : i32
        %dma_wait3A_195 = arith.constant 0 : i32
        %dma_wait3A_196 = tpu.memref_slice %arg9[%dma_wait3A_194, %dma_wait3A_195] : memref<10240x64xf32, #tpu.memory_space<vmem_shared>> -> memref<10240x64xf32, #tpu.memory_space<vmem_shared>>
        tpu.wait_indirect_dma semaphore(%arg23 : memref<!tpu.dma_semaphore, #tpu.memory_space<semaphore_mem>>) src(%arg13 : memref<128x64xf32, #tpu.memory_space<vmem>>) dst(%dma_wait3A_196 : memref<10240x64xf32, #tpu.memory_space<vmem_shared>>)
      } else {
      }
      %add3A_94 = arith.constant 3 : i32
      %add3A_95 = arith.addi %add3A_53, %add3A_94 : i32
      %dma_start3A_96 = arith.constant 0 : i32
      %dma_start3A_97 = tpu.memref_slice %arg6[%add3A_95, %dma_start3A_96] : memref<160x128xi32, #tpu.memory_space<vmem>> -> memref<1x128xi32, #tpu.memory_space<vmem>>
      %dma_start3A_98 = tpu.memref_squeeze %dma_start3A_97 : memref<1x128xi32, #tpu.memory_space<vmem>> -> memref<128xi32, #tpu.memory_space<vmem>>
      %dma_start3A_99 = arith.constant 0 : i32
      %dma_start3A_100 = arith.constant 0 : i32
      %dma_start3A_101 = tpu.memref_slice %arg2[%dma_start3A_99, %dma_start3A_100] : memref<20000x64xf32, #tpu.memory_space<hbm>> -> memref<20000x64xf32, #tpu.memory_space<hbm>>
      tpu.enqueue_indirect_dma source(%dma_start3A_101 : memref<20000x64xf32, #tpu.memory_space<hbm>>) target(%arg13 : memref<128x64xf32, #tpu.memory_space<vmem>>) offsets(%dma_start3A_98 : memref<128xi32, #tpu.memory_space<vmem>>) semaphore(%arg18 : memref<!tpu.dma_semaphore, #tpu.memory_space<semaphore_mem>>)
      %gt3A_102 = arith.constant 0 : i32
      %gt3A_103 = arith.cmpi sgt, %add3A_53, %gt3A_102 : i32
      %convert_element_type3A_104 = arith.extui %gt3A_103 : i1 to i32
      %cond3A_105 = arith.constant 0 : i32
      %cond3A_106 = arith.cmpi ne, %convert_element_type3A_104, %cond3A_105 : i32
      scf.if %cond3A_106 {
        %dma_wait3A_190 = arith.constant 0 : i32
        %dma_wait3A_191 = arith.constant 0 : i32
        %dma_wait3A_192 = tpu.memref_slice %arg7[%dma_wait3A_190, %dma_wait3A_191] : memref<160x128xi32, #tpu.memory_space<vmem>> -> memref<1x128xi32, #tpu.memory_space<vmem>>
        %dma_wait3A_193 = tpu.memref_squeeze %dma_wait3A_192 : memref<1x128xi32, #tpu.memory_space<vmem>> -> memref<128xi32, #tpu.memory_space<vmem>>
        %dma_wait3A_194 = arith.constant 0 : i32
        %dma_wait3A_195 = arith.constant 0 : i32
        %dma_wait3A_196 = tpu.memref_slice %arg9[%dma_wait3A_194, %dma_wait3A_195] : memref<10240x64xf32, #tpu.memory_space<vmem_shared>> -> memref<10240x64xf32, #tpu.memory_space<vmem_shared>>
        tpu.wait_indirect_dma semaphore(%arg24 : memref<!tpu.dma_semaphore, #tpu.memory_space<semaphore_mem>>) src(%arg14 : memref<128x64xf32, #tpu.memory_space<vmem>>) dst(%dma_wait3A_196 : memref<10240x64xf32, #tpu.memory_space<vmem_shared>>)
      } else {
      }
      %add3A_107 = arith.constant 4 : i32
      %add3A_108 = arith.addi %add3A_53, %add3A_107 : i32
      %dma_start3A_109 = arith.constant 0 : i32
      %dma_start3A_110 = tpu.memref_slice %arg6[%add3A_108, %dma_start3A_109] : memref<160x128xi32, #tpu.memory_space<vmem>> -> memref<1x128xi32, #tpu.memory_space<vmem>>
      %dma_start3A_111 = tpu.memref_squeeze %dma_start3A_110 : memref<1x128xi32, #tpu.memory_space<vmem>> -> memref<128xi32, #tpu.memory_space<vmem>>
      %dma_start3A_112 = arith.constant 0 : i32
      %dma_start3A_113 = arith.constant 0 : i32
      %dma_start3A_114 = tpu.memref_slice %arg2[%dma_start3A_112, %dma_start3A_113] : memref<20000x64xf32, #tpu.memory_space<hbm>> -> memref<20000x64xf32, #tpu.memory_space<hbm>>
      tpu.enqueue_indirect_dma source(%dma_start3A_114 : memref<20000x64xf32, #tpu.memory_space<hbm>>) target(%arg14 : memref<128x64xf32, #tpu.memory_space<vmem>>) offsets(%dma_start3A_111 : memref<128xi32, #tpu.memory_space<vmem>>) semaphore(%arg19 : memref<!tpu.dma_semaphore, #tpu.memory_space<semaphore_mem>>)
      %dma_wait3A_115 = arith.constant 0 : i32
      %dma_wait3A_116 = arith.constant 0 : i32
      %dma_wait3A_117 = tpu.memref_slice %arg6[%dma_wait3A_115, %dma_wait3A_116] : memref<160x128xi32, #tpu.memory_space<vmem>> -> memref<1x128xi32, #tpu.memory_space<vmem>>
      %dma_wait3A_118 = tpu.memref_squeeze %dma_wait3A_117 : memref<1x128xi32, #tpu.memory_space<vmem>> -> memref<128xi32, #tpu.memory_space<vmem>>
      %dma_wait3A_119 = arith.constant 0 : i32
      %dma_wait3A_120 = arith.constant 0 : i32
      %dma_wait3A_121 = tpu.memref_slice %arg2[%dma_wait3A_119, %dma_wait3A_120] : memref<20000x64xf32, #tpu.memory_space<hbm>> -> memref<20000x64xf32, #tpu.memory_space<hbm>>
      tpu.wait_indirect_dma semaphore(%arg15 : memref<!tpu.dma_semaphore, #tpu.memory_space<semaphore_mem>>) src(%dma_wait3A_121 : memref<20000x64xf32, #tpu.memory_space<hbm>>) dst(%arg10 : memref<128x64xf32, #tpu.memory_space<vmem>>)
      %add3A_122 = arith.constant 0 : i32
      %add3A_123 = arith.addi %add3A_53, %add3A_122 : i32
      %dma_start3A_124 = arith.constant 0 : i32
      %dma_start3A_125 = tpu.memref_slice %arg7[%add3A_123, %dma_start3A_124] : memref<160x128xi32, #tpu.memory_space<vmem>> -> memref<1x128xi32, #tpu.memory_space<vmem>>
      %dma_start3A_126 = tpu.memref_squeeze %dma_start3A_125 : memref<1x128xi32, #tpu.memory_space<vmem>> -> memref<128xi32, #tpu.memory_space<vmem>>
      %dma_start3A_127 = arith.constant 0 : i32
      %dma_start3A_128 = arith.constant 0 : i32
      %dma_start3A_129 = tpu.memref_slice %arg9[%dma_start3A_127, %dma_start3A_128] : memref<10240x64xf32, #tpu.memory_space<vmem_shared>> -> memref<10240x64xf32, #tpu.memory_space<vmem_shared>>
      tpu.enqueue_indirect_dma source(%arg10 : memref<128x64xf32, #tpu.memory_space<vmem>>) target(%dma_start3A_129 : memref<10240x64xf32, #tpu.memory_space<vmem_shared>>) offsets(%dma_start3A_126 : memref<128xi32, #tpu.memory_space<vmem>>) semaphore(%arg20 : memref<!tpu.dma_semaphore, #tpu.memory_space<semaphore_mem>>) {add = true}
      %dma_wait3A_130 = arith.constant 0 : i32
      %dma_wait3A_131 = arith.constant 0 : i32
      %dma_wait3A_132 = tpu.memref_slice %arg6[%dma_wait3A_130, %dma_wait3A_131] : memref<160x128xi32, #tpu.memory_space<vmem>> -> memref<1x128xi32, #tpu.memory_space<vmem>>
      %dma_wait3A_133 = tpu.memref_squeeze %dma_wait3A_132 : memref<1x128xi32, #tpu.memory_space<vmem>> -> memref<128xi32, #tpu.memory_space<vmem>>
      %dma_wait3A_134 = arith.constant 0 : i32
      %dma_wait3A_135 = arith.constant 0 : i32
      %dma_wait3A_136 = tpu.memref_slice %arg2[%dma_wait3A_134, %dma_wait3A_135] : memref<20000x64xf32, #tpu.memory_space<hbm>> -> memref<20000x64xf32, #tpu.memory_space<hbm>>
      tpu.wait_indirect_dma semaphore(%arg16 : memref<!tpu.dma_semaphore, #tpu.memory_space<semaphore_mem>>) src(%dma_wait3A_136 : memref<20000x64xf32, #tpu.memory_space<hbm>>) dst(%arg11 : memref<128x64xf32, #tpu.memory_space<vmem>>)
      %add3A_137 = arith.constant 1 : i32
      %add3A_138 = arith.addi %add3A_53, %add3A_137 : i32
      %dma_start3A_139 = arith.constant 0 : i32
      %dma_start3A_140 = tpu.memref_slice %arg7[%add3A_138, %dma_start3A_139] : memref<160x128xi32, #tpu.memory_space<vmem>> -> memref<1x128xi32, #tpu.memory_space<vmem>>
      %dma_start3A_141 = tpu.memref_squeeze %dma_start3A_140 : memref<1x128xi32, #tpu.memory_space<vmem>> -> memref<128xi32, #tpu.memory_space<vmem>>
      %dma_start3A_142 = arith.constant 0 : i32
      %dma_start3A_143 = arith.constant 0 : i32
      %dma_start3A_144 = tpu.memref_slice %arg9[%dma_start3A_142, %dma_start3A_143] : memref<10240x64xf32, #tpu.memory_space<vmem_shared>> -> memref<10240x64xf32, #tpu.memory_space<vmem_shared>>
      tpu.enqueue_indirect_dma source(%arg11 : memref<128x64xf32, #tpu.memory_space<vmem>>) target(%dma_start3A_144 : memref<10240x64xf32, #tpu.memory_space<vmem_shared>>) offsets(%dma_start3A_141 : memref<128xi32, #tpu.memory_space<vmem>>) semaphore(%arg21 : memref<!tpu.dma_semaphore, #tpu.memory_space<semaphore_mem>>) {add = true}
      %dma_wait3A_145 = arith.constant 0 : i32
      %dma_wait3A_146 = arith.constant 0 : i32
      %dma_wait3A_147 = tpu.memref_slice %arg6[%dma_wait3A_145, %dma_wait3A_146] : memref<160x128xi32, #tpu.memory_space<vmem>> -> memref<1x128xi32, #tpu.memory_space<vmem>>
      %dma_wait3A_148 = tpu.memref_squeeze %dma_wait3A_147 : memref<1x128xi32, #tpu.memory_space<vmem>> -> memref<128xi32, #tpu.memory_space<vmem>>
      %dma_wait3A_149 = arith.constant 0 : i32
      %dma_wait3A_150 = arith.constant 0 : i32
      %dma_wait3A_151 = tpu.memref_slice %arg2[%dma_wait3A_149, %dma_wait3A_150] : memref<20000x64xf32, #tpu.memory_space<hbm>> -> memref<20000x64xf32, #tpu.memory_space<hbm>>
      tpu.wait_indirect_dma semaphore(%arg17 : memref<!tpu.dma_semaphore, #tpu.memory_space<semaphore_mem>>) src(%dma_wait3A_151 : memref<20000x64xf32, #tpu.memory_space<hbm>>) dst(%arg12 : memref<128x64xf32, #tpu.memory_space<vmem>>)
      %add3A_152 = arith.constant 2 : i32
      %add3A_153 = arith.addi %add3A_53, %add3A_152 : i32
      %dma_start3A_154 = arith.constant 0 : i32
      %dma_start3A_155 = tpu.memref_slice %arg7[%add3A_153, %dma_start3A_154] : memref<160x128xi32, #tpu.memory_space<vmem>> -> memref<1x128xi32, #tpu.memory_space<vmem>>
      %dma_start3A_156 = tpu.memref_squeeze %dma_start3A_155 : memref<1x128xi32, #tpu.memory_space<vmem>> -> memref<128xi32, #tpu.memory_space<vmem>>
      %dma_start3A_157 = arith.constant 0 : i32
      %dma_start3A_158 = arith.constant 0 : i32
      %dma_start3A_159 = tpu.memref_slice %arg9[%dma_start3A_157, %dma_start3A_158] : memref<10240x64xf32, #tpu.memory_space<vmem_shared>> -> memref<10240x64xf32, #tpu.memory_space<vmem_shared>>
      tpu.enqueue_indirect_dma source(%arg12 : memref<128x64xf32, #tpu.memory_space<vmem>>) target(%dma_start3A_159 : memref<10240x64xf32, #tpu.memory_space<vmem_shared>>) offsets(%dma_start3A_156 : memref<128xi32, #tpu.memory_space<vmem>>) semaphore(%arg22 : memref<!tpu.dma_semaphore, #tpu.memory_space<semaphore_mem>>) {add = true}
      %dma_wait3A_160 = arith.constant 0 : i32
      %dma_wait3A_161 = arith.constant 0 : i32
      %dma_wait3A_162 = tpu.memref_slice %arg6[%dma_wait3A_160, %dma_wait3A_161] : memref<160x128xi32, #tpu.memory_space<vmem>> -> memref<1x128xi32, #tpu.memory_space<vmem>>
      %dma_wait3A_163 = tpu.memref_squeeze %dma_wait3A_162 : memref<1x128xi32, #tpu.memory_space<vmem>> -> memref<128xi32, #tpu.memory_space<vmem>>
      %dma_wait3A_164 = arith.constant 0 : i32
      %dma_wait3A_165 = arith.constant 0 : i32
      %dma_wait3A_166 = tpu.memref_slice %arg2[%dma_wait3A_164, %dma_wait3A_165] : memref<20000x64xf32, #tpu.memory_space<hbm>> -> memref<20000x64xf32, #tpu.memory_space<hbm>>
      tpu.wait_indirect_dma semaphore(%arg18 : memref<!tpu.dma_semaphore, #tpu.memory_space<semaphore_mem>>) src(%dma_wait3A_166 : memref<20000x64xf32, #tpu.memory_space<hbm>>) dst(%arg13 : memref<128x64xf32, #tpu.memory_space<vmem>>)
      %add3A_167 = arith.constant 3 : i32
      %add3A_168 = arith.addi %add3A_53, %add3A_167 : i32
      %dma_start3A_169 = arith.constant 0 : i32
      %dma_start3A_170 = tpu.memref_slice %arg7[%add3A_168, %dma_start3A_169] : memref<160x128xi32, #tpu.memory_space<vmem>> -> memref<1x128xi32, #tpu.memory_space<vmem>>
      %dma_start3A_171 = tpu.memref_squeeze %dma_start3A_170 : memref<1x128xi32, #tpu.memory_space<vmem>> -> memref<128xi32, #tpu.memory_space<vmem>>
      %dma_start3A_172 = arith.constant 0 : i32
      %dma_start3A_173 = arith.constant 0 : i32
      %dma_start3A_174 = tpu.memref_slice %arg9[%dma_start3A_172, %dma_start3A_173] : memref<10240x64xf32, #tpu.memory_space<vmem_shared>> -> memref<10240x64xf32, #tpu.memory_space<vmem_shared>>
      tpu.enqueue_indirect_dma source(%arg13 : memref<128x64xf32, #tpu.memory_space<vmem>>) target(%dma_start3A_174 : memref<10240x64xf32, #tpu.memory_space<vmem_shared>>) offsets(%dma_start3A_171 : memref<128xi32, #tpu.memory_space<vmem>>) semaphore(%arg23 : memref<!tpu.dma_semaphore, #tpu.memory_space<semaphore_mem>>) {add = true}
      %dma_wait3A_175 = arith.constant 0 : i32
      %dma_wait3A_176 = arith.constant 0 : i32
      %dma_wait3A_177 = tpu.memref_slice %arg6[%dma_wait3A_175, %dma_wait3A_176] : memref<160x128xi32, #tpu.memory_space<vmem>> -> memref<1x128xi32, #tpu.memory_space<vmem>>
      %dma_wait3A_178 = tpu.memref_squeeze %dma_wait3A_177 : memref<1x128xi32, #tpu.memory_space<vmem>> -> memref<128xi32, #tpu.memory_space<vmem>>
      %dma_wait3A_179 = arith.constant 0 : i32
      %dma_wait3A_180 = arith.constant 0 : i32
      %dma_wait3A_181 = tpu.memref_slice %arg2[%dma_wait3A_179, %dma_wait3A_180] : memref<20000x64xf32, #tpu.memory_space<hbm>> -> memref<20000x64xf32, #tpu.memory_space<hbm>>
      tpu.wait_indirect_dma semaphore(%arg19 : memref<!tpu.dma_semaphore, #tpu.memory_space<semaphore_mem>>) src(%dma_wait3A_181 : memref<20000x64xf32, #tpu.memory_space<hbm>>) dst(%arg14 : memref<128x64xf32, #tpu.memory_space<vmem>>)
      %add3A_182 = arith.constant 4 : i32
      %add3A_183 = arith.addi %add3A_53, %add3A_182 : i32
      %dma_start3A_184 = arith.constant 0 : i32
      %dma_start3A_185 = tpu.memref_slice %arg7[%add3A_183, %dma_start3A_184] : memref<160x128xi32, #tpu.memory_space<vmem>> -> memref<1x128xi32, #tpu.memory_space<vmem>>
      %dma_start3A_186 = tpu.memref_squeeze %dma_start3A_185 : memref<1x128xi32, #tpu.memory_space<vmem>> -> memref<128xi32, #tpu.memory_space<vmem>>
      %dma_start3A_187 = arith.constant 0 : i32
      %dma_start3A_188 = arith.constant 0 : i32
      %dma_start3A_189 = tpu.memref_slice %arg9[%dma_start3A_187, %dma_start3A_188] : memref<10240x64xf32, #tpu.memory_space<vmem_shared>> -> memref<10240x64xf32, #tpu.memory_space<vmem_shared>>
      tpu.enqueue_indirect_dma source(%arg14 : memref<128x64xf32, #tpu.memory_space<vmem>>) target(%dma_start3A_189 : memref<10240x64xf32, #tpu.memory_space<vmem_shared>>) offsets(%dma_start3A_186 : memref<128xi32, #tpu.memory_space<vmem>>) semaphore(%arg24 : memref<!tpu.dma_semaphore, #tpu.memory_space<semaphore_mem>>) {add = true}
    }
    %scan3A_14 = arith.constant 32 : i32
    %dma_wait3A = arith.constant 0 : i32
    %dma_wait3A_15 = arith.constant 0 : i32
    %dma_wait3A_16 = tpu.memref_slice %arg7[%dma_wait3A, %dma_wait3A_15] : memref<160x128xi32, #tpu.memory_space<vmem>> -> memref<1x128xi32, #tpu.memory_space<vmem>>
    %dma_wait3A_17 = tpu.memref_squeeze %dma_wait3A_16 : memref<1x128xi32, #tpu.memory_space<vmem>> -> memref<128xi32, #tpu.memory_space<vmem>>
    %dma_wait3A_18 = arith.constant 0 : i32
    %dma_wait3A_19 = arith.constant 0 : i32
    %dma_wait3A_20 = tpu.memref_slice %arg9[%dma_wait3A_18, %dma_wait3A_19] : memref<10240x64xf32, #tpu.memory_space<vmem_shared>> -> memref<10240x64xf32, #tpu.memory_space<vmem_shared>>
    tpu.wait_indirect_dma semaphore(%arg20 : memref<!tpu.dma_semaphore, #tpu.memory_space<semaphore_mem>>) src(%arg10 : memref<128x64xf32, #tpu.memory_space<vmem>>) dst(%dma_wait3A_20 : memref<10240x64xf32, #tpu.memory_space<vmem_shared>>)
    %dma_wait3A_21 = arith.constant 0 : i32
    %dma_wait3A_22 = arith.constant 0 : i32
    %dma_wait3A_23 = tpu.memref_slice %arg7[%dma_wait3A_21, %dma_wait3A_22] : memref<160x128xi32, #tpu.memory_space<vmem>> -> memref<1x128xi32, #tpu.memory_space<vmem>>
    %dma_wait3A_24 = tpu.memref_squeeze %dma_wait3A_23 : memref<1x128xi32, #tpu.memory_space<vmem>> -> memref<128xi32, #tpu.memory_space<vmem>>
    %dma_wait3A_25 = arith.constant 0 : i32
    %dma_wait3A_26 = arith.constant 0 : i32
    %dma_wait3A_27 = tpu.memref_slice %arg9[%dma_wait3A_25, %dma_wait3A_26] : memref<10240x64xf32, #tpu.memory_space<vmem_shared>> -> memref<10240x64xf32, #tpu.memory_space<vmem_shared>>
    tpu.wait_indirect_dma semaphore(%arg21 : memref<!tpu.dma_semaphore, #tpu.memory_space<semaphore_mem>>) src(%arg11 : memref<128x64xf32, #tpu.memory_space<vmem>>) dst(%dma_wait3A_27 : memref<10240x64xf32, #tpu.memory_space<vmem_shared>>)
    %dma_wait3A_28 = arith.constant 0 : i32
    %dma_wait3A_29 = arith.constant 0 : i32
    %dma_wait3A_30 = tpu.memref_slice %arg7[%dma_wait3A_28, %dma_wait3A_29] : memref<160x128xi32, #tpu.memory_space<vmem>> -> memref<1x128xi32, #tpu.memory_space<vmem>>
    %dma_wait3A_31 = tpu.memref_squeeze %dma_wait3A_30 : memref<1x128xi32, #tpu.memory_space<vmem>> -> memref<128xi32, #tpu.memory_space<vmem>>
    %dma_wait3A_32 = arith.constant 0 : i32
    %dma_wait3A_33 = arith.constant 0 : i32
    %dma_wait3A_34 = tpu.memref_slice %arg9[%dma_wait3A_32, %dma_wait3A_33] : memref<10240x64xf32, #tpu.memory_space<vmem_shared>> -> memref<10240x64xf32, #tpu.memory_space<vmem_shared>>
    tpu.wait_indirect_dma semaphore(%arg22 : memref<!tpu.dma_semaphore, #tpu.memory_space<semaphore_mem>>) src(%arg12 : memref<128x64xf32, #tpu.memory_space<vmem>>) dst(%dma_wait3A_34 : memref<10240x64xf32, #tpu.memory_space<vmem_shared>>)
    %dma_wait3A_35 = arith.constant 0 : i32
    %dma_wait3A_36 = arith.constant 0 : i32
    %dma_wait3A_37 = tpu.memref_slice %arg7[%dma_wait3A_35, %dma_wait3A_36] : memref<160x128xi32, #tpu.memory_space<vmem>> -> memref<1x128xi32, #tpu.memory_space<vmem>>
    %dma_wait3A_38 = tpu.memref_squeeze %dma_wait3A_37 : memref<1x128xi32, #tpu.memory_space<vmem>> -> memref<128xi32, #tpu.memory_space<vmem>>
    %dma_wait3A_39 = arith.constant 0 : i32
    %dma_wait3A_40 = arith.constant 0 : i32
    %dma_wait3A_41 = tpu.memref_slice %arg9[%dma_wait3A_39, %dma_wait3A_40] : memref<10240x64xf32, #tpu.memory_space<vmem_shared>> -> memref<10240x64xf32, #tpu.memory_space<vmem_shared>>
    tpu.wait_indirect_dma semaphore(%arg23 : memref<!tpu.dma_semaphore, #tpu.memory_space<semaphore_mem>>) src(%arg13 : memref<128x64xf32, #tpu.memory_space<vmem>>) dst(%dma_wait3A_41 : memref<10240x64xf32, #tpu.memory_space<vmem_shared>>)
    %dma_wait3A_42 = arith.constant 0 : i32
    %dma_wait3A_43 = arith.constant 0 : i32
    %dma_wait3A_44 = tpu.memref_slice %arg7[%dma_wait3A_42, %dma_wait3A_43] : memref<160x128xi32, #tpu.memory_space<vmem>> -> memref<1x128xi32, #tpu.memory_space<vmem>>
    %dma_wait3A_45 = tpu.memref_squeeze %dma_wait3A_44 : memref<1x128xi32, #tpu.memory_space<vmem>> -> memref<128xi32, #tpu.memory_space<vmem>>
    %dma_wait3A_46 = arith.constant 0 : i32
    %dma_wait3A_47 = arith.constant 0 : i32
    %dma_wait3A_48 = tpu.memref_slice %arg9[%dma_wait3A_46, %dma_wait3A_47] : memref<10240x64xf32, #tpu.memory_space<vmem_shared>> -> memref<10240x64xf32, #tpu.memory_space<vmem_shared>>
    tpu.wait_indirect_dma semaphore(%arg24 : memref<!tpu.dma_semaphore, #tpu.memory_space<semaphore_mem>>) src(%arg14 : memref<128x64xf32, #tpu.memory_space<vmem>>) dst(%dma_wait3A_48 : memref<10240x64xf32, #tpu.memory_space<vmem_shared>>)
    %barrier3A_49 = arith.constant 0 : index
    tpu.barrier barrier_id(%barrier3A_49)
    "tpu.region"() ({
      %run_scoped3A = tpu.sem_alloc : memref<!tpu.dma_semaphore, #tpu.memory_space<semaphore_mem>>
      %dma_start3A = arith.constant 0 : i32
      %dma_start3A_50 = tpu.memref_slice %arg5[%arg0, %mul3A_0, %dma_start3A] : memref<2x10240x128xf32, #tpu.memory_space<hbm>> -> memref<1x640x64xf32, #tpu.memory_space<hbm>>
      %dma_start3A_51 = tpu.memref_squeeze %dma_start3A_50 : memref<1x640x64xf32, #tpu.memory_space<hbm>> -> memref<640x64xf32, #tpu.memory_space<hbm>>
      %dma_start3A_52 = arith.constant 0 : i32
      %dma_start3A_53 = tpu.memref_slice %arg9[%mul3A_0, %dma_start3A_52] : memref<10240x64xf32, #tpu.memory_space<vmem_shared>> -> memref<640x64xf32, #tpu.memory_space<vmem_shared>>
      tpu.enqueue_dma source(%dma_start3A_53 : memref<640x64xf32, #tpu.memory_space<vmem_shared>>) target(%dma_start3A_51 : memref<640x64xf32, #tpu.memory_space<hbm>>) target_semaphore(%run_scoped3A : memref<!tpu.dma_semaphore, #tpu.memory_space<semaphore_mem>>)
      %dma_wait3A_54 = arith.constant 0 : i32
      %dma_wait3A_55 = tpu.memref_slice %arg5[%arg0, %mul3A_0, %dma_wait3A_54] : memref<2x10240x128xf32, #tpu.memory_space<hbm>> -> memref<1x640x64xf32, #tpu.memory_space<hbm>>
      %dma_wait3A_56 = tpu.memref_squeeze %dma_wait3A_55 : memref<1x640x64xf32, #tpu.memory_space<hbm>> -> memref<640x64xf32, #tpu.memory_space<hbm>>
      %dma_wait3A_57 = arith.constant 0 : i32
      %dma_wait3A_58 = tpu.memref_slice %arg9[%mul3A_0, %dma_wait3A_57] : memref<10240x64xf32, #tpu.memory_space<vmem_shared>> -> memref<640x64xf32, #tpu.memory_space<vmem_shared>>
      tpu.wait_dma2 semaphore(%run_scoped3A : memref<!tpu.dma_semaphore, #tpu.memory_space<semaphore_mem>>) src(%dma_wait3A_58 : memref<640x64xf32, #tpu.memory_space<vmem_shared>>) dst(%dma_wait3A_56 : memref<640x64xf32, #tpu.memory_space<hbm>>)
      tpu.yield
    }) : () -> ()
    return
  }
}

#map = affine_map<(d0, d1) -> (0, 0, 0)>
module attributes {stable_mosaic.version = 14 : i64} {
  func.func @_sc_degree(%arg0: i32, %arg1: i32, %arg2: memref<16x160x128xi32, #tpu.memory_space<hbm>>, %arg3: memref<2x10240x128xf32, #tpu.memory_space<hbm>>, %arg4: memref<80x128xi32, #tpu.memory_space<vmem>>, %arg5: memref<128x16xf32, #tpu.memory_space<vmem>>, %arg6: memref<128x16xf32, #tpu.memory_space<vmem>>, %arg7: memref<10240x16xf32, #tpu.memory_space<vmem_shared>>, %arg8: memref<!tpu.dma_semaphore, #tpu.memory_space<semaphore_mem>>, %arg9: memref<!tpu.dma_semaphore, #tpu.memory_space<semaphore_mem>>, %arg10: memref<!tpu.dma_semaphore, #tpu.memory_space<semaphore_mem>>, %arg11: memref<!tpu.dma_semaphore, #tpu.memory_space<semaphore_mem>>, %arg12: memref<!tpu.dma_semaphore, #tpu.memory_space<semaphore_mem>>, %arg13: memref<!tpu.dma_semaphore, #tpu.memory_space<semaphore_mem>>, %arg14: memref<!tpu.dma_semaphore, #tpu.memory_space<semaphore_mem>>, %arg15: memref<!tpu.dma_semaphore, #tpu.memory_space<semaphore_mem>>) attributes {dimension_semantics = [#tpu.dimension_semantics<core_parallel>, #tpu.dimension_semantics<subcore_parallel>], iteration_bounds = array<i64: 2, 16>, scalar_prefetch = 0 : i64, scratch_operands = 12 : i64, tpu.core_type = #tpu.core_type<sc_vector_subcore>, window_params = [{transform_indices = #map}, {transform_indices = #map}]} {
    %scan3A = arith.constant 0 : i32
    %scan3A_0 = arith.constant 128 : i32
    %scan3A_1 = arith.addi %scan3A, %scan3A_0 : i32
    %scan3A_2 = arith.constant 1 : i32
    scf.for %scan3A_78 = %scan3A to %scan3A_1 step %scan3A_2  : i32 {
      %mul3A_79 = arith.constant 1 : i32
      %mul3A_80 = arith.muli %scan3A_78, %mul3A_79 : i32
      %add3A = arith.constant 0 : i32
      %add3A_81 = arith.addi %add3A, %mul3A_80 : i32
      %broadcast_in_dim3A = arith.constant 1.000000e+00 : f32
      %broadcast_in_dim3A_82 = vector.broadcast %broadcast_in_dim3A : f32 to vector<16xf32>
      %swap3A = arith.index_cast %add3A_81 : i32 to index
      %swap3A_83 = arith.constant 0 : index
      %swap3A_84 = tpu.vector_load %arg5[%swap3A, %swap3A_83] {strides = array<i32>} : memref<128x16xf32, #tpu.memory_space<vmem>>, vector<1x16xf32>,
      %swap3A_85 = vector.shape_cast %swap3A_84 : vector<1x16xf32> to vector<16xf32>
      %swap3A_86 = vector.shape_cast %broadcast_in_dim3A_82 : vector<16xf32> to vector<1x16xf32>
      tpu.vector_store %arg5[%swap3A, %swap3A_83], %swap3A_86 {strides = array<i32>} : memref<128x16xf32, #tpu.memory_space<vmem>>, vector<1x16xf32>,
    }
    %scan3A_3 = arith.constant 128 : i32
    %scan3A_4 = arith.constant 0 : i32
    %scan3A_5 = arith.constant 128 : i32
    %scan3A_6 = arith.addi %scan3A_4, %scan3A_5 : i32
    %scan3A_7 = arith.constant 1 : i32
    scf.for %scan3A_78 = %scan3A_4 to %scan3A_6 step %scan3A_7  : i32 {
      %mul3A_79 = arith.constant 1 : i32
      %mul3A_80 = arith.muli %scan3A_78, %mul3A_79 : i32
      %add3A = arith.constant 0 : i32
      %add3A_81 = arith.addi %add3A, %mul3A_80 : i32
      %broadcast_in_dim3A = arith.constant 0.000000e+00 : f32
      %broadcast_in_dim3A_82 = vector.broadcast %broadcast_in_dim3A : f32 to vector<16xf32>
      %swap3A = arith.index_cast %add3A_81 : i32 to index
      %swap3A_83 = arith.constant 0 : index
      %swap3A_84 = tpu.vector_load %arg6[%swap3A, %swap3A_83] {strides = array<i32>} : memref<128x16xf32, #tpu.memory_space<vmem>>, vector<1x16xf32>,
      %swap3A_85 = vector.shape_cast %swap3A_84 : vector<1x16xf32> to vector<16xf32>
      %swap3A_86 = vector.shape_cast %broadcast_in_dim3A_82 : vector<16xf32> to vector<1x16xf32>
      tpu.vector_store %arg6[%swap3A, %swap3A_83], %swap3A_86 {strides = array<i32>} : memref<128x16xf32, #tpu.memory_space<vmem>>, vector<1x16xf32>,
    }
    %scan3A_8 = arith.constant 128 : i32
    %mul3A = arith.constant 640 : i32
    %mul3A_9 = arith.muli %arg1, %mul3A : i32
    %scan3A_10 = arith.constant 0 : i32
    %scan3A_11 = arith.constant 5 : i32
    %scan3A_12 = arith.addi %scan3A_10, %scan3A_11 : i32
    %scan3A_13 = arith.constant 1 : i32
    scf.for %scan3A_78 = %scan3A_10 to %scan3A_12 step %scan3A_13  : i32 {
      %mul3A_79 = arith.constant 1 : i32
      %mul3A_80 = arith.muli %scan3A_78, %mul3A_79 : i32
      %add3A = arith.constant 0 : i32
      %add3A_81 = arith.addi %add3A, %mul3A_80 : i32
      %mul3A_82 = arith.constant 128 : i32
      %mul3A_83 = arith.muli %add3A_81, %mul3A_82 : i32
      %add3A_84 = arith.addi %mul3A_9, %mul3A_83 : i32
      "tpu.region"() ({
        %run_scoped3A = tpu.sem_alloc : memref<!tpu.dma_semaphore, #tpu.memory_space<semaphore_mem>>
        %dma_start3A = arith.constant 0 : i32
        %dma_start3A_85 = tpu.memref_slice %arg7[%add3A_84, %dma_start3A] : memref<10240x16xf32, #tpu.memory_space<vmem_shared>> -> memref<128x16xf32, #tpu.memory_space<vmem_shared>>
        %dma_start3A_86 = arith.constant 0 : i32
        %dma_start3A_87 = tpu.memref_slice %arg7[%add3A_84, %dma_start3A_86] : memref<10240x16xf32, #tpu.memory_space<vmem_shared>> -> memref<128x16xf32, #tpu.memory_space<vmem_shared>>
        tpu.enqueue_dma source(%arg6 : memref<128x16xf32, #tpu.memory_space<vmem>>) target(%dma_start3A_87 : memref<128x16xf32, #tpu.memory_space<vmem_shared>>) target_semaphore(%run_scoped3A : memref<!tpu.dma_semaphore, #tpu.memory_space<semaphore_mem>>)
        %dma_wait3A_88 = arith.constant 0 : i32
        %dma_wait3A_89 = tpu.memref_slice %arg7[%add3A_84, %dma_wait3A_88] : memref<10240x16xf32, #tpu.memory_space<vmem_shared>> -> memref<128x16xf32, #tpu.memory_space<vmem_shared>>
        %dma_wait3A_90 = arith.constant 0 : i32
        %dma_wait3A_91 = tpu.memref_slice %arg7[%add3A_84, %dma_wait3A_90] : memref<10240x16xf32, #tpu.memory_space<vmem_shared>> -> memref<128x16xf32, #tpu.memory_space<vmem_shared>>
        tpu.wait_dma2 semaphore(%run_scoped3A : memref<!tpu.dma_semaphore, #tpu.memory_space<semaphore_mem>>) src(%arg6 : memref<128x16xf32, #tpu.memory_space<vmem>>) dst(%dma_wait3A_91 : memref<128x16xf32, #tpu.memory_space<vmem_shared>>)
        tpu.yield
      }) : () -> ()
    }
    %scan3A_14 = arith.constant 5 : i32
    %barrier3A = arith.constant 0 : index
    tpu.barrier barrier_id(%barrier3A)
    %mul3A_15 = arith.constant 80 : i32
    %mul3A_16 = arith.muli %arg0, %mul3A_15 : i32
    "tpu.region"() ({
      %run_scoped3A = tpu.sem_alloc : memref<!tpu.dma_semaphore, #tpu.memory_space<semaphore_mem>>
      %dma_start3A = arith.constant 0 : i32
      %dma_start3A_78 = tpu.memref_slice %arg2[%arg1, %mul3A_16, %dma_start3A] : memref<16x160x128xi32, #tpu.memory_space<hbm>> -> memref<1x80x128xi32, #tpu.memory_space<hbm>>
      %dma_start3A_79 = tpu.memref_squeeze %dma_start3A_78 : memref<1x80x128xi32, #tpu.memory_space<hbm>> -> memref<80x128xi32, #tpu.memory_space<hbm>>
      %dma_start3A_80 = arith.constant 0 : i32
      %dma_start3A_81 = tpu.memref_slice %arg2[%arg1, %mul3A_16, %dma_start3A_80] : memref<16x160x128xi32, #tpu.memory_space<hbm>> -> memref<1x80x128xi32, #tpu.memory_space<hbm>>
      %dma_start3A_82 = tpu.memref_squeeze %dma_start3A_81 : memref<1x80x128xi32, #tpu.memory_space<hbm>> -> memref<80x128xi32, #tpu.memory_space<hbm>>
      tpu.enqueue_dma source(%dma_start3A_82 : memref<80x128xi32, #tpu.memory_space<hbm>>) target(%arg4 : memref<80x128xi32, #tpu.memory_space<vmem>>) target_semaphore(%run_scoped3A : memref<!tpu.dma_semaphore, #tpu.memory_space<semaphore_mem>>)
      %dma_wait3A_83 = arith.constant 0 : i32
      %dma_wait3A_84 = tpu.memref_slice %arg2[%arg1, %mul3A_16, %dma_wait3A_83] : memref<16x160x128xi32, #tpu.memory_space<hbm>> -> memref<1x80x128xi32, #tpu.memory_space<hbm>>
      %dma_wait3A_85 = tpu.memref_squeeze %dma_wait3A_84 : memref<1x80x128xi32, #tpu.memory_space<hbm>> -> memref<80x128xi32, #tpu.memory_space<hbm>>
      %dma_wait3A_86 = arith.constant 0 : i32
      %dma_wait3A_87 = tpu.memref_slice %arg2[%arg1, %mul3A_16, %dma_wait3A_86] : memref<16x160x128xi32, #tpu.memory_space<hbm>> -> memref<1x80x128xi32, #tpu.memory_space<hbm>>
      %dma_wait3A_88 = tpu.memref_squeeze %dma_wait3A_87 : memref<1x80x128xi32, #tpu.memory_space<hbm>> -> memref<80x128xi32, #tpu.memory_space<hbm>>
      tpu.wait_dma2 semaphore(%run_scoped3A : memref<!tpu.dma_semaphore, #tpu.memory_space<semaphore_mem>>) src(%dma_wait3A_88 : memref<80x128xi32, #tpu.memory_space<hbm>>) dst(%arg4 : memref<80x128xi32, #tpu.memory_space<vmem>>)
      tpu.yield
    }) : () -> ()
    %scan3A_17 = arith.constant 0 : i32
    %scan3A_18 = arith.constant 10 : i32
    %scan3A_19 = arith.addi %scan3A_17, %scan3A_18 : i32
    %scan3A_20 = arith.constant 1 : i32
    scf.for %scan3A_78 = %scan3A_17 to %scan3A_19 step %scan3A_20  : i32 {
      %mul3A_79 = arith.constant 8 : i32
      %mul3A_80 = arith.muli %scan3A_78, %mul3A_79 : i32
      %add3A = arith.constant 0 : i32
      %add3A_81 = arith.addi %add3A, %mul3A_80 : i32
      %gt3A = arith.constant 0 : i32
      %gt3A_82 = arith.cmpi sgt, %add3A_81, %gt3A : i32
      %convert_element_type3A = arith.extui %gt3A_82 : i1 to i32
      %cond3A = arith.constant 0 : i32
      %cond3A_83 = arith.cmpi ne, %convert_element_type3A, %cond3A : i32
      scf.if %cond3A_83 {
        %dma_wait3A_182 = arith.constant 0 : i32
        %dma_wait3A_183 = arith.constant 0 : i32
        %dma_wait3A_184 = tpu.memref_slice %arg4[%dma_wait3A_182, %dma_wait3A_183] : memref<80x128xi32, #tpu.memory_space<vmem>> -> memref<1x128xi32, #tpu.memory_space<vmem>>
        %dma_wait3A_185 = tpu.memref_squeeze %dma_wait3A_184 : memref<1x128xi32, #tpu.memory_space<vmem>> -> memref<128xi32, #tpu.memory_space<vmem>>
        %dma_wait3A_186 = arith.constant 0 : i32
        %dma_wait3A_187 = arith.constant 0 : i32
        %dma_wait3A_188 = tpu.memref_slice %arg7[%dma_wait3A_186, %dma_wait3A_187] : memref<10240x16xf32, #tpu.memory_space<vmem_shared>> -> memref<10240x16xf32, #tpu.memory_space<vmem_shared>>
        tpu.wait_indirect_dma semaphore(%arg8 : memref<!tpu.dma_semaphore, #tpu.memory_space<semaphore_mem>>) src(%arg5 : memref<128x16xf32, #tpu.memory_space<vmem>>) dst(%dma_wait3A_188 : memref<10240x16xf32, #tpu.memory_space<vmem_shared>>)
      } else {
      }
      %add3A_84 = arith.constant 0 : i32
      %add3A_85 = arith.addi %add3A_81, %add3A_84 : i32
      %dma_start3A = arith.constant 0 : i32
      %dma_start3A_86 = tpu.memref_slice %arg4[%add3A_85, %dma_start3A] : memref<80x128xi32, #tpu.memory_space<vmem>> -> memref<1x128xi32, #tpu.memory_space<vmem>>
      %dma_start3A_87 = tpu.memref_squeeze %dma_start3A_86 : memref<1x128xi32, #tpu.memory_space<vmem>> -> memref<128xi32, #tpu.memory_space<vmem>>
      %dma_start3A_88 = arith.constant 0 : i32
      %dma_start3A_89 = arith.constant 0 : i32
      %dma_start3A_90 = tpu.memref_slice %arg7[%dma_start3A_88, %dma_start3A_89] : memref<10240x16xf32, #tpu.memory_space<vmem_shared>> -> memref<10240x16xf32, #tpu.memory_space<vmem_shared>>
      tpu.enqueue_indirect_dma source(%arg5 : memref<128x16xf32, #tpu.memory_space<vmem>>) target(%dma_start3A_90 : memref<10240x16xf32, #tpu.memory_space<vmem_shared>>) offsets(%dma_start3A_87 : memref<128xi32, #tpu.memory_space<vmem>>) semaphore(%arg8 : memref<!tpu.dma_semaphore, #tpu.memory_space<semaphore_mem>>) {add = true}
      %gt3A_91 = arith.constant 0 : i32
      %gt3A_92 = arith.cmpi sgt, %add3A_81, %gt3A_91 : i32
      %convert_element_type3A_93 = arith.extui %gt3A_92 : i1 to i32
      %cond3A_94 = arith.constant 0 : i32
      %cond3A_95 = arith.cmpi ne, %convert_element_type3A_93, %cond3A_94 : i32
      scf.if %cond3A_95 {
        %dma_wait3A_182 = arith.constant 0 : i32
        %dma_wait3A_183 = arith.constant 0 : i32
        %dma_wait3A_184 = tpu.memref_slice %arg4[%dma_wait3A_182, %dma_wait3A_183] : memref<80x128xi32, #tpu.memory_space<vmem>> -> memref<1x128xi32, #tpu.memory_space<vmem>>
        %dma_wait3A_185 = tpu.memref_squeeze %dma_wait3A_184 : memref<1x128xi32, #tpu.memory_space<vmem>> -> memref<128xi32, #tpu.memory_space<vmem>>
        %dma_wait3A_186 = arith.constant 0 : i32
        %dma_wait3A_187 = arith.constant 0 : i32
        %dma_wait3A_188 = tpu.memref_slice %arg7[%dma_wait3A_186, %dma_wait3A_187] : memref<10240x16xf32, #tpu.memory_space<vmem_shared>> -> memref<10240x16xf32, #tpu.memory_space<vmem_shared>>
        tpu.wait_indirect_dma semaphore(%arg9 : memref<!tpu.dma_semaphore, #tpu.memory_space<semaphore_mem>>) src(%arg5 : memref<128x16xf32, #tpu.memory_space<vmem>>) dst(%dma_wait3A_188 : memref<10240x16xf32, #tpu.memory_space<vmem_shared>>)
      } else {
      }
      %add3A_96 = arith.constant 1 : i32
      %add3A_97 = arith.addi %add3A_81, %add3A_96 : i32
      %dma_start3A_98 = arith.constant 0 : i32
      %dma_start3A_99 = tpu.memref_slice %arg4[%add3A_97, %dma_start3A_98] : memref<80x128xi32, #tpu.memory_space<vmem>> -> memref<1x128xi32, #tpu.memory_space<vmem>>
      %dma_start3A_100 = tpu.memref_squeeze %dma_start3A_99 : memref<1x128xi32, #tpu.memory_space<vmem>> -> memref<128xi32, #tpu.memory_space<vmem>>
      %dma_start3A_101 = arith.constant 0 : i32
      %dma_start3A_102 = arith.constant 0 : i32
      %dma_start3A_103 = tpu.memref_slice %arg7[%dma_start3A_101, %dma_start3A_102] : memref<10240x16xf32, #tpu.memory_space<vmem_shared>> -> memref<10240x16xf32, #tpu.memory_space<vmem_shared>>
      tpu.enqueue_indirect_dma source(%arg5 : memref<128x16xf32, #tpu.memory_space<vmem>>) target(%dma_start3A_103 : memref<10240x16xf32, #tpu.memory_space<vmem_shared>>) offsets(%dma_start3A_100 : memref<128xi32, #tpu.memory_space<vmem>>) semaphore(%arg9 : memref<!tpu.dma_semaphore, #tpu.memory_space<semaphore_mem>>) {add = true}
      %gt3A_104 = arith.constant 0 : i32
      %gt3A_105 = arith.cmpi sgt, %add3A_81, %gt3A_104 : i32
      %convert_element_type3A_106 = arith.extui %gt3A_105 : i1 to i32
      %cond3A_107 = arith.constant 0 : i32
      %cond3A_108 = arith.cmpi ne, %convert_element_type3A_106, %cond3A_107 : i32
      scf.if %cond3A_108 {
        %dma_wait3A_182 = arith.constant 0 : i32
        %dma_wait3A_183 = arith.constant 0 : i32
        %dma_wait3A_184 = tpu.memref_slice %arg4[%dma_wait3A_182, %dma_wait3A_183] : memref<80x128xi32, #tpu.memory_space<vmem>> -> memref<1x128xi32, #tpu.memory_space<vmem>>
        %dma_wait3A_185 = tpu.memref_squeeze %dma_wait3A_184 : memref<1x128xi32, #tpu.memory_space<vmem>> -> memref<128xi32, #tpu.memory_space<vmem>>
        %dma_wait3A_186 = arith.constant 0 : i32
        %dma_wait3A_187 = arith.constant 0 : i32
        %dma_wait3A_188 = tpu.memref_slice %arg7[%dma_wait3A_186, %dma_wait3A_187] : memref<10240x16xf32, #tpu.memory_space<vmem_shared>> -> memref<10240x16xf32, #tpu.memory_space<vmem_shared>>
        tpu.wait_indirect_dma semaphore(%arg10 : memref<!tpu.dma_semaphore, #tpu.memory_space<semaphore_mem>>) src(%arg5 : memref<128x16xf32, #tpu.memory_space<vmem>>) dst(%dma_wait3A_188 : memref<10240x16xf32, #tpu.memory_space<vmem_shared>>)
      } else {
      }
      %add3A_109 = arith.constant 2 : i32
      %add3A_110 = arith.addi %add3A_81, %add3A_109 : i32
      %dma_start3A_111 = arith.constant 0 : i32
      %dma_start3A_112 = tpu.memref_slice %arg4[%add3A_110, %dma_start3A_111] : memref<80x128xi32, #tpu.memory_space<vmem>> -> memref<1x128xi32, #tpu.memory_space<vmem>>
      %dma_start3A_113 = tpu.memref_squeeze %dma_start3A_112 : memref<1x128xi32, #tpu.memory_space<vmem>> -> memref<128xi32, #tpu.memory_space<vmem>>
      %dma_start3A_114 = arith.constant 0 : i32
      %dma_start3A_115 = arith.constant 0 : i32
      %dma_start3A_116 = tpu.memref_slice %arg7[%dma_start3A_114, %dma_start3A_115] : memref<10240x16xf32, #tpu.memory_space<vmem_shared>> -> memref<10240x16xf32, #tpu.memory_space<vmem_shared>>
      tpu.enqueue_indirect_dma source(%arg5 : memref<128x16xf32, #tpu.memory_space<vmem>>) target(%dma_start3A_116 : memref<10240x16xf32, #tpu.memory_space<vmem_shared>>) offsets(%dma_start3A_113 : memref<128xi32, #tpu.memory_space<vmem>>) semaphore(%arg10 : memref<!tpu.dma_semaphore, #tpu.memory_space<semaphore_mem>>) {add = true}
      %gt3A_117 = arith.constant 0 : i32
      %gt3A_118 = arith.cmpi sgt, %add3A_81, %gt3A_117 : i32
      %convert_element_type3A_119 = arith.extui %gt3A_118 : i1 to i32
      %cond3A_120 = arith.constant 0 : i32
      %cond3A_121 = arith.cmpi ne, %convert_element_type3A_119, %cond3A_120 : i32
      scf.if %cond3A_121 {
        %dma_wait3A_182 = arith.constant 0 : i32
        %dma_wait3A_183 = arith.constant 0 : i32
        %dma_wait3A_184 = tpu.memref_slice %arg4[%dma_wait3A_182, %dma_wait3A_183] : memref<80x128xi32, #tpu.memory_space<vmem>> -> memref<1x128xi32, #tpu.memory_space<vmem>>
        %dma_wait3A_185 = tpu.memref_squeeze %dma_wait3A_184 : memref<1x128xi32, #tpu.memory_space<vmem>> -> memref<128xi32, #tpu.memory_space<vmem>>
        %dma_wait3A_186 = arith.constant 0 : i32
        %dma_wait3A_187 = arith.constant 0 : i32
        %dma_wait3A_188 = tpu.memref_slice %arg7[%dma_wait3A_186, %dma_wait3A_187] : memref<10240x16xf32, #tpu.memory_space<vmem_shared>> -> memref<10240x16xf32, #tpu.memory_space<vmem_shared>>
        tpu.wait_indirect_dma semaphore(%arg11 : memref<!tpu.dma_semaphore, #tpu.memory_space<semaphore_mem>>) src(%arg5 : memref<128x16xf32, #tpu.memory_space<vmem>>) dst(%dma_wait3A_188 : memref<10240x16xf32, #tpu.memory_space<vmem_shared>>)
      } else {
      }
      %add3A_122 = arith.constant 3 : i32
      %add3A_123 = arith.addi %add3A_81, %add3A_122 : i32
      %dma_start3A_124 = arith.constant 0 : i32
      %dma_start3A_125 = tpu.memref_slice %arg4[%add3A_123, %dma_start3A_124] : memref<80x128xi32, #tpu.memory_space<vmem>> -> memref<1x128xi32, #tpu.memory_space<vmem>>
      %dma_start3A_126 = tpu.memref_squeeze %dma_start3A_125 : memref<1x128xi32, #tpu.memory_space<vmem>> -> memref<128xi32, #tpu.memory_space<vmem>>
      %dma_start3A_127 = arith.constant 0 : i32
      %dma_start3A_128 = arith.constant 0 : i32
      %dma_start3A_129 = tpu.memref_slice %arg7[%dma_start3A_127, %dma_start3A_128] : memref<10240x16xf32, #tpu.memory_space<vmem_shared>> -> memref<10240x16xf32, #tpu.memory_space<vmem_shared>>
      tpu.enqueue_indirect_dma source(%arg5 : memref<128x16xf32, #tpu.memory_space<vmem>>) target(%dma_start3A_129 : memref<10240x16xf32, #tpu.memory_space<vmem_shared>>) offsets(%dma_start3A_126 : memref<128xi32, #tpu.memory_space<vmem>>) semaphore(%arg11 : memref<!tpu.dma_semaphore, #tpu.memory_space<semaphore_mem>>) {add = true}
      %gt3A_130 = arith.constant 0 : i32
      %gt3A_131 = arith.cmpi sgt, %add3A_81, %gt3A_130 : i32
      %convert_element_type3A_132 = arith.extui %gt3A_131 : i1 to i32
      %cond3A_133 = arith.constant 0 : i32
      %cond3A_134 = arith.cmpi ne, %convert_element_type3A_132, %cond3A_133 : i32
      scf.if %cond3A_134 {
        %dma_wait3A_182 = arith.constant 0 : i32
        %dma_wait3A_183 = arith.constant 0 : i32
        %dma_wait3A_184 = tpu.memref_slice %arg4[%dma_wait3A_182, %dma_wait3A_183] : memref<80x128xi32, #tpu.memory_space<vmem>> -> memref<1x128xi32, #tpu.memory_space<vmem>>
        %dma_wait3A_185 = tpu.memref_squeeze %dma_wait3A_184 : memref<1x128xi32, #tpu.memory_space<vmem>> -> memref<128xi32, #tpu.memory_space<vmem>>
        %dma_wait3A_186 = arith.constant 0 : i32
        %dma_wait3A_187 = arith.constant 0 : i32
        %dma_wait3A_188 = tpu.memref_slice %arg7[%dma_wait3A_186, %dma_wait3A_187] : memref<10240x16xf32, #tpu.memory_space<vmem_shared>> -> memref<10240x16xf32, #tpu.memory_space<vmem_shared>>
        tpu.wait_indirect_dma semaphore(%arg12 : memref<!tpu.dma_semaphore, #tpu.memory_space<semaphore_mem>>) src(%arg5 : memref<128x16xf32, #tpu.memory_space<vmem>>) dst(%dma_wait3A_188 : memref<10240x16xf32, #tpu.memory_space<vmem_shared>>)
      } else {
      }
      %add3A_135 = arith.constant 4 : i32
      %add3A_136 = arith.addi %add3A_81, %add3A_135 : i32
      %dma_start3A_137 = arith.constant 0 : i32
      %dma_start3A_138 = tpu.memref_slice %arg4[%add3A_136, %dma_start3A_137] : memref<80x128xi32, #tpu.memory_space<vmem>> -> memref<1x128xi32, #tpu.memory_space<vmem>>
      %dma_start3A_139 = tpu.memref_squeeze %dma_start3A_138 : memref<1x128xi32, #tpu.memory_space<vmem>> -> memref<128xi32, #tpu.memory_space<vmem>>
      %dma_start3A_140 = arith.constant 0 : i32
      %dma_start3A_141 = arith.constant 0 : i32
      %dma_start3A_142 = tpu.memref_slice %arg7[%dma_start3A_140, %dma_start3A_141] : memref<10240x16xf32, #tpu.memory_space<vmem_shared>> -> memref<10240x16xf32, #tpu.memory_space<vmem_shared>>
      tpu.enqueue_indirect_dma source(%arg5 : memref<128x16xf32, #tpu.memory_space<vmem>>) target(%dma_start3A_142 : memref<10240x16xf32, #tpu.memory_space<vmem_shared>>) offsets(%dma_start3A_139 : memref<128xi32, #tpu.memory_space<vmem>>) semaphore(%arg12 : memref<!tpu.dma_semaphore, #tpu.memory_space<semaphore_mem>>) {add = true}
      %gt3A_143 = arith.constant 0 : i32
      %gt3A_144 = arith.cmpi sgt, %add3A_81, %gt3A_143 : i32
      %convert_element_type3A_145 = arith.extui %gt3A_144 : i1 to i32
      %cond3A_146 = arith.constant 0 : i32
      %cond3A_147 = arith.cmpi ne, %convert_element_type3A_145, %cond3A_146 : i32
      scf.if %cond3A_147 {
        %dma_wait3A_182 = arith.constant 0 : i32
        %dma_wait3A_183 = arith.constant 0 : i32
        %dma_wait3A_184 = tpu.memref_slice %arg4[%dma_wait3A_182, %dma_wait3A_183] : memref<80x128xi32, #tpu.memory_space<vmem>> -> memref<1x128xi32, #tpu.memory_space<vmem>>
        %dma_wait3A_185 = tpu.memref_squeeze %dma_wait3A_184 : memref<1x128xi32, #tpu.memory_space<vmem>> -> memref<128xi32, #tpu.memory_space<vmem>>
        %dma_wait3A_186 = arith.constant 0 : i32
        %dma_wait3A_187 = arith.constant 0 : i32
        %dma_wait3A_188 = tpu.memref_slice %arg7[%dma_wait3A_186, %dma_wait3A_187] : memref<10240x16xf32, #tpu.memory_space<vmem_shared>> -> memref<10240x16xf32, #tpu.memory_space<vmem_shared>>
        tpu.wait_indirect_dma semaphore(%arg13 : memref<!tpu.dma_semaphore, #tpu.memory_space<semaphore_mem>>) src(%arg5 : memref<128x16xf32, #tpu.memory_space<vmem>>) dst(%dma_wait3A_188 : memref<10240x16xf32, #tpu.memory_space<vmem_shared>>)
      } else {
      }
      %add3A_148 = arith.constant 5 : i32
      %add3A_149 = arith.addi %add3A_81, %add3A_148 : i32
      %dma_start3A_150 = arith.constant 0 : i32
      %dma_start3A_151 = tpu.memref_slice %arg4[%add3A_149, %dma_start3A_150] : memref<80x128xi32, #tpu.memory_space<vmem>> -> memref<1x128xi32, #tpu.memory_space<vmem>>
      %dma_start3A_152 = tpu.memref_squeeze %dma_start3A_151 : memref<1x128xi32, #tpu.memory_space<vmem>> -> memref<128xi32, #tpu.memory_space<vmem>>
      %dma_start3A_153 = arith.constant 0 : i32
      %dma_start3A_154 = arith.constant 0 : i32
      %dma_start3A_155 = tpu.memref_slice %arg7[%dma_start3A_153, %dma_start3A_154] : memref<10240x16xf32, #tpu.memory_space<vmem_shared>> -> memref<10240x16xf32, #tpu.memory_space<vmem_shared>>
      tpu.enqueue_indirect_dma source(%arg5 : memref<128x16xf32, #tpu.memory_space<vmem>>) target(%dma_start3A_155 : memref<10240x16xf32, #tpu.memory_space<vmem_shared>>) offsets(%dma_start3A_152 : memref<128xi32, #tpu.memory_space<vmem>>) semaphore(%arg13 : memref<!tpu.dma_semaphore, #tpu.memory_space<semaphore_mem>>) {add = true}
      %gt3A_156 = arith.constant 0 : i32
      %gt3A_157 = arith.cmpi sgt, %add3A_81, %gt3A_156 : i32
      %convert_element_type3A_158 = arith.extui %gt3A_157 : i1 to i32
      %cond3A_159 = arith.constant 0 : i32
      %cond3A_160 = arith.cmpi ne, %convert_element_type3A_158, %cond3A_159 : i32
      scf.if %cond3A_160 {
        %dma_wait3A_182 = arith.constant 0 : i32
        %dma_wait3A_183 = arith.constant 0 : i32
        %dma_wait3A_184 = tpu.memref_slice %arg4[%dma_wait3A_182, %dma_wait3A_183] : memref<80x128xi32, #tpu.memory_space<vmem>> -> memref<1x128xi32, #tpu.memory_space<vmem>>
        %dma_wait3A_185 = tpu.memref_squeeze %dma_wait3A_184 : memref<1x128xi32, #tpu.memory_space<vmem>> -> memref<128xi32, #tpu.memory_space<vmem>>
        %dma_wait3A_186 = arith.constant 0 : i32
        %dma_wait3A_187 = arith.constant 0 : i32
        %dma_wait3A_188 = tpu.memref_slice %arg7[%dma_wait3A_186, %dma_wait3A_187] : memref<10240x16xf32, #tpu.memory_space<vmem_shared>> -> memref<10240x16xf32, #tpu.memory_space<vmem_shared>>
        tpu.wait_indirect_dma semaphore(%arg14 : memref<!tpu.dma_semaphore, #tpu.memory_space<semaphore_mem>>) src(%arg5 : memref<128x16xf32, #tpu.memory_space<vmem>>) dst(%dma_wait3A_188 : memref<10240x16xf32, #tpu.memory_space<vmem_shared>>)
      } else {
      }
      %add3A_161 = arith.constant 6 : i32
      %add3A_162 = arith.addi %add3A_81, %add3A_161 : i32
      %dma_start3A_163 = arith.constant 0 : i32
      %dma_start3A_164 = tpu.memref_slice %arg4[%add3A_162, %dma_start3A_163] : memref<80x128xi32, #tpu.memory_space<vmem>> -> memref<1x128xi32, #tpu.memory_space<vmem>>
      %dma_start3A_165 = tpu.memref_squeeze %dma_start3A_164 : memref<1x128xi32, #tpu.memory_space<vmem>> -> memref<128xi32, #tpu.memory_space<vmem>>
      %dma_start3A_166 = arith.constant 0 : i32
      %dma_start3A_167 = arith.constant 0 : i32
      %dma_start3A_168 = tpu.memref_slice %arg7[%dma_start3A_166, %dma_start3A_167] : memref<10240x16xf32, #tpu.memory_space<vmem_shared>> -> memref<10240x16xf32, #tpu.memory_space<vmem_shared>>
      tpu.enqueue_indirect_dma source(%arg5 : memref<128x16xf32, #tpu.memory_space<vmem>>) target(%dma_start3A_168 : memref<10240x16xf32, #tpu.memory_space<vmem_shared>>) offsets(%dma_start3A_165 : memref<128xi32, #tpu.memory_space<vmem>>) semaphore(%arg14 : memref<!tpu.dma_semaphore, #tpu.memory_space<semaphore_mem>>) {add = true}
      %gt3A_169 = arith.constant 0 : i32
      %gt3A_170 = arith.cmpi sgt, %add3A_81, %gt3A_169 : i32
      %convert_element_type3A_171 = arith.extui %gt3A_170 : i1 to i32
      %cond3A_172 = arith.constant 0 : i32
      %cond3A_173 = arith.cmpi ne, %convert_element_type3A_171, %cond3A_172 : i32
      scf.if %cond3A_173 {
        %dma_wait3A_182 = arith.constant 0 : i32
        %dma_wait3A_183 = arith.constant 0 : i32
        %dma_wait3A_184 = tpu.memref_slice %arg4[%dma_wait3A_182, %dma_wait3A_183] : memref<80x128xi32, #tpu.memory_space<vmem>> -> memref<1x128xi32, #tpu.memory_space<vmem>>
        %dma_wait3A_185 = tpu.memref_squeeze %dma_wait3A_184 : memref<1x128xi32, #tpu.memory_space<vmem>> -> memref<128xi32, #tpu.memory_space<vmem>>
        %dma_wait3A_186 = arith.constant 0 : i32
        %dma_wait3A_187 = arith.constant 0 : i32
        %dma_wait3A_188 = tpu.memref_slice %arg7[%dma_wait3A_186, %dma_wait3A_187] : memref<10240x16xf32, #tpu.memory_space<vmem_shared>> -> memref<10240x16xf32, #tpu.memory_space<vmem_shared>>
        tpu.wait_indirect_dma semaphore(%arg15 : memref<!tpu.dma_semaphore, #tpu.memory_space<semaphore_mem>>) src(%arg5 : memref<128x16xf32, #tpu.memory_space<vmem>>) dst(%dma_wait3A_188 : memref<10240x16xf32, #tpu.memory_space<vmem_shared>>)
      } else {
      }
      %add3A_174 = arith.constant 7 : i32
      %add3A_175 = arith.addi %add3A_81, %add3A_174 : i32
      %dma_start3A_176 = arith.constant 0 : i32
      %dma_start3A_177 = tpu.memref_slice %arg4[%add3A_175, %dma_start3A_176] : memref<80x128xi32, #tpu.memory_space<vmem>> -> memref<1x128xi32, #tpu.memory_space<vmem>>
      %dma_start3A_178 = tpu.memref_squeeze %dma_start3A_177 : memref<1x128xi32, #tpu.memory_space<vmem>> -> memref<128xi32, #tpu.memory_space<vmem>>
      %dma_start3A_179 = arith.constant 0 : i32
      %dma_start3A_180 = arith.constant 0 : i32
      %dma_start3A_181 = tpu.memref_slice %arg7[%dma_start3A_179, %dma_start3A_180] : memref<10240x16xf32, #tpu.memory_space<vmem_shared>> -> memref<10240x16xf32, #tpu.memory_space<vmem_shared>>
      tpu.enqueue_indirect_dma source(%arg5 : memref<128x16xf32, #tpu.memory_space<vmem>>) target(%dma_start3A_181 : memref<10240x16xf32, #tpu.memory_space<vmem_shared>>) offsets(%dma_start3A_178 : memref<128xi32, #tpu.memory_space<vmem>>) semaphore(%arg15 : memref<!tpu.dma_semaphore, #tpu.memory_space<semaphore_mem>>) {add = true}
    }
    %scan3A_21 = arith.constant 10 : i32
    %dma_wait3A = arith.constant 0 : i32
    %dma_wait3A_22 = arith.constant 0 : i32
    %dma_wait3A_23 = tpu.memref_slice %arg4[%dma_wait3A, %dma_wait3A_22] : memref<80x128xi32, #tpu.memory_space<vmem>> -> memref<1x128xi32, #tpu.memory_space<vmem>>
    %dma_wait3A_24 = tpu.memref_squeeze %dma_wait3A_23 : memref<1x128xi32, #tpu.memory_space<vmem>> -> memref<128xi32, #tpu.memory_space<vmem>>
    %dma_wait3A_25 = arith.constant 0 : i32
    %dma_wait3A_26 = arith.constant 0 : i32
    %dma_wait3A_27 = tpu.memref_slice %arg7[%dma_wait3A_25, %dma_wait3A_26] : memref<10240x16xf32, #tpu.memory_space<vmem_shared>> -> memref<10240x16xf32, #tpu.memory_space<vmem_shared>>
    tpu.wait_indirect_dma semaphore(%arg8 : memref<!tpu.dma_semaphore, #tpu.memory_space<semaphore_mem>>) src(%arg5 : memref<128x16xf32, #tpu.memory_space<vmem>>) dst(%dma_wait3A_27 : memref<10240x16xf32, #tpu.memory_space<vmem_shared>>)
    %dma_wait3A_28 = arith.constant 0 : i32
    %dma_wait3A_29 = arith.constant 0 : i32
    %dma_wait3A_30 = tpu.memref_slice %arg4[%dma_wait3A_28, %dma_wait3A_29] : memref<80x128xi32, #tpu.memory_space<vmem>> -> memref<1x128xi32, #tpu.memory_space<vmem>>
    %dma_wait3A_31 = tpu.memref_squeeze %dma_wait3A_30 : memref<1x128xi32, #tpu.memory_space<vmem>> -> memref<128xi32, #tpu.memory_space<vmem>>
    %dma_wait3A_32 = arith.constant 0 : i32
    %dma_wait3A_33 = arith.constant 0 : i32
    %dma_wait3A_34 = tpu.memref_slice %arg7[%dma_wait3A_32, %dma_wait3A_33] : memref<10240x16xf32, #tpu.memory_space<vmem_shared>> -> memref<10240x16xf32, #tpu.memory_space<vmem_shared>>
    tpu.wait_indirect_dma semaphore(%arg9 : memref<!tpu.dma_semaphore, #tpu.memory_space<semaphore_mem>>) src(%arg5 : memref<128x16xf32, #tpu.memory_space<vmem>>) dst(%dma_wait3A_34 : memref<10240x16xf32, #tpu.memory_space<vmem_shared>>)
    %dma_wait3A_35 = arith.constant 0 : i32
    %dma_wait3A_36 = arith.constant 0 : i32
    %dma_wait3A_37 = tpu.memref_slice %arg4[%dma_wait3A_35, %dma_wait3A_36] : memref<80x128xi32, #tpu.memory_space<vmem>> -> memref<1x128xi32, #tpu.memory_space<vmem>>
    %dma_wait3A_38 = tpu.memref_squeeze %dma_wait3A_37 : memref<1x128xi32, #tpu.memory_space<vmem>> -> memref<128xi32, #tpu.memory_space<vmem>>
    %dma_wait3A_39 = arith.constant 0 : i32
    %dma_wait3A_40 = arith.constant 0 : i32
    %dma_wait3A_41 = tpu.memref_slice %arg7[%dma_wait3A_39, %dma_wait3A_40] : memref<10240x16xf32, #tpu.memory_space<vmem_shared>> -> memref<10240x16xf32, #tpu.memory_space<vmem_shared>>
    tpu.wait_indirect_dma semaphore(%arg10 : memref<!tpu.dma_semaphore, #tpu.memory_space<semaphore_mem>>) src(%arg5 : memref<128x16xf32, #tpu.memory_space<vmem>>) dst(%dma_wait3A_41 : memref<10240x16xf32, #tpu.memory_space<vmem_shared>>)
    %dma_wait3A_42 = arith.constant 0 : i32
    %dma_wait3A_43 = arith.constant 0 : i32
    %dma_wait3A_44 = tpu.memref_slice %arg4[%dma_wait3A_42, %dma_wait3A_43] : memref<80x128xi32, #tpu.memory_space<vmem>> -> memref<1x128xi32, #tpu.memory_space<vmem>>
    %dma_wait3A_45 = tpu.memref_squeeze %dma_wait3A_44 : memref<1x128xi32, #tpu.memory_space<vmem>> -> memref<128xi32, #tpu.memory_space<vmem>>
    %dma_wait3A_46 = arith.constant 0 : i32
    %dma_wait3A_47 = arith.constant 0 : i32
    %dma_wait3A_48 = tpu.memref_slice %arg7[%dma_wait3A_46, %dma_wait3A_47] : memref<10240x16xf32, #tpu.memory_space<vmem_shared>> -> memref<10240x16xf32, #tpu.memory_space<vmem_shared>>
    tpu.wait_indirect_dma semaphore(%arg11 : memref<!tpu.dma_semaphore, #tpu.memory_space<semaphore_mem>>) src(%arg5 : memref<128x16xf32, #tpu.memory_space<vmem>>) dst(%dma_wait3A_48 : memref<10240x16xf32, #tpu.memory_space<vmem_shared>>)
    %dma_wait3A_49 = arith.constant 0 : i32
    %dma_wait3A_50 = arith.constant 0 : i32
    %dma_wait3A_51 = tpu.memref_slice %arg4[%dma_wait3A_49, %dma_wait3A_50] : memref<80x128xi32, #tpu.memory_space<vmem>> -> memref<1x128xi32, #tpu.memory_space<vmem>>
    %dma_wait3A_52 = tpu.memref_squeeze %dma_wait3A_51 : memref<1x128xi32, #tpu.memory_space<vmem>> -> memref<128xi32, #tpu.memory_space<vmem>>
    %dma_wait3A_53 = arith.constant 0 : i32
    %dma_wait3A_54 = arith.constant 0 : i32
    %dma_wait3A_55 = tpu.memref_slice %arg7[%dma_wait3A_53, %dma_wait3A_54] : memref<10240x16xf32, #tpu.memory_space<vmem_shared>> -> memref<10240x16xf32, #tpu.memory_space<vmem_shared>>
    tpu.wait_indirect_dma semaphore(%arg12 : memref<!tpu.dma_semaphore, #tpu.memory_space<semaphore_mem>>) src(%arg5 : memref<128x16xf32, #tpu.memory_space<vmem>>) dst(%dma_wait3A_55 : memref<10240x16xf32, #tpu.memory_space<vmem_shared>>)
    %dma_wait3A_56 = arith.constant 0 : i32
    %dma_wait3A_57 = arith.constant 0 : i32
    %dma_wait3A_58 = tpu.memref_slice %arg4[%dma_wait3A_56, %dma_wait3A_57] : memref<80x128xi32, #tpu.memory_space<vmem>> -> memref<1x128xi32, #tpu.memory_space<vmem>>
    %dma_wait3A_59 = tpu.memref_squeeze %dma_wait3A_58 : memref<1x128xi32, #tpu.memory_space<vmem>> -> memref<128xi32, #tpu.memory_space<vmem>>
    %dma_wait3A_60 = arith.constant 0 : i32
    %dma_wait3A_61 = arith.constant 0 : i32
    %dma_wait3A_62 = tpu.memref_slice %arg7[%dma_wait3A_60, %dma_wait3A_61] : memref<10240x16xf32, #tpu.memory_space<vmem_shared>> -> memref<10240x16xf32, #tpu.memory_space<vmem_shared>>
    tpu.wait_indirect_dma semaphore(%arg13 : memref<!tpu.dma_semaphore, #tpu.memory_space<semaphore_mem>>) src(%arg5 : memref<128x16xf32, #tpu.memory_space<vmem>>) dst(%dma_wait3A_62 : memref<10240x16xf32, #tpu.memory_space<vmem_shared>>)
    %dma_wait3A_63 = arith.constant 0 : i32
    %dma_wait3A_64 = arith.constant 0 : i32
    %dma_wait3A_65 = tpu.memref_slice %arg4[%dma_wait3A_63, %dma_wait3A_64] : memref<80x128xi32, #tpu.memory_space<vmem>> -> memref<1x128xi32, #tpu.memory_space<vmem>>
    %dma_wait3A_66 = tpu.memref_squeeze %dma_wait3A_65 : memref<1x128xi32, #tpu.memory_space<vmem>> -> memref<128xi32, #tpu.memory_space<vmem>>
    %dma_wait3A_67 = arith.constant 0 : i32
    %dma_wait3A_68 = arith.constant 0 : i32
    %dma_wait3A_69 = tpu.memref_slice %arg7[%dma_wait3A_67, %dma_wait3A_68] : memref<10240x16xf32, #tpu.memory_space<vmem_shared>> -> memref<10240x16xf32, #tpu.memory_space<vmem_shared>>
    tpu.wait_indirect_dma semaphore(%arg14 : memref<!tpu.dma_semaphore, #tpu.memory_space<semaphore_mem>>) src(%arg5 : memref<128x16xf32, #tpu.memory_space<vmem>>) dst(%dma_wait3A_69 : memref<10240x16xf32, #tpu.memory_space<vmem_shared>>)
    %dma_wait3A_70 = arith.constant 0 : i32
    %dma_wait3A_71 = arith.constant 0 : i32
    %dma_wait3A_72 = tpu.memref_slice %arg4[%dma_wait3A_70, %dma_wait3A_71] : memref<80x128xi32, #tpu.memory_space<vmem>> -> memref<1x128xi32, #tpu.memory_space<vmem>>
    %dma_wait3A_73 = tpu.memref_squeeze %dma_wait3A_72 : memref<1x128xi32, #tpu.memory_space<vmem>> -> memref<128xi32, #tpu.memory_space<vmem>>
    %dma_wait3A_74 = arith.constant 0 : i32
    %dma_wait3A_75 = arith.constant 0 : i32
    %dma_wait3A_76 = tpu.memref_slice %arg7[%dma_wait3A_74, %dma_wait3A_75] : memref<10240x16xf32, #tpu.memory_space<vmem_shared>> -> memref<10240x16xf32, #tpu.memory_space<vmem_shared>>
    tpu.wait_indirect_dma semaphore(%arg15 : memref<!tpu.dma_semaphore, #tpu.memory_space<semaphore_mem>>) src(%arg5 : memref<128x16xf32, #tpu.memory_space<vmem>>) dst(%dma_wait3A_76 : memref<10240x16xf32, #tpu.memory_space<vmem_shared>>)
    %barrier3A_77 = arith.constant 0 : index
    tpu.barrier barrier_id(%barrier3A_77)
    "tpu.region"() ({
      %run_scoped3A = tpu.sem_alloc : memref<!tpu.dma_semaphore, #tpu.memory_space<semaphore_mem>>
      %dma_start3A = arith.constant 0 : i32
      %dma_start3A_78 = tpu.memref_slice %arg3[%arg0, %mul3A_9, %dma_start3A] : memref<2x10240x128xf32, #tpu.memory_space<hbm>> -> memref<1x640x16xf32, #tpu.memory_space<hbm>>
      %dma_start3A_79 = tpu.memref_squeeze %dma_start3A_78 : memref<1x640x16xf32, #tpu.memory_space<hbm>> -> memref<640x16xf32, #tpu.memory_space<hbm>>
      %dma_start3A_80 = arith.constant 0 : i32
      %dma_start3A_81 = tpu.memref_slice %arg7[%mul3A_9, %dma_start3A_80] : memref<10240x16xf32, #tpu.memory_space<vmem_shared>> -> memref<640x16xf32, #tpu.memory_space<vmem_shared>>
      tpu.enqueue_dma source(%dma_start3A_81 : memref<640x16xf32, #tpu.memory_space<vmem_shared>>) target(%dma_start3A_79 : memref<640x16xf32, #tpu.memory_space<hbm>>) target_semaphore(%run_scoped3A : memref<!tpu.dma_semaphore, #tpu.memory_space<semaphore_mem>>)
      %dma_wait3A_82 = arith.constant 0 : i32
      %dma_wait3A_83 = tpu.memref_slice %arg3[%arg0, %mul3A_9, %dma_wait3A_82] : memref<2x10240x128xf32, #tpu.memory_space<hbm>> -> memref<1x640x16xf32, #tpu.memory_space<hbm>>
      %dma_wait3A_84 = tpu.memref_squeeze %dma_wait3A_83 : memref<1x640x16xf32, #tpu.memory_space<hbm>> -> memref<640x16xf32, #tpu.memory_space<hbm>>
      %dma_wait3A_85 = arith.constant 0 : i32
      %dma_wait3A_86 = tpu.memref_slice %arg7[%mul3A_9, %dma_wait3A_85] : memref<10240x16xf32, #tpu.memory_space<vmem_shared>> -> memref<640x16xf32, #tpu.memory_space<vmem_shared>>
      tpu.wait_dma2 semaphore(%run_scoped3A : memref<!tpu.dma_semaphore, #tpu.memory_space<semaphore_mem>>) src(%dma_wait3A_86 : memref<640x16xf32, #tpu.memory_space<vmem_shared>>) dst(%dma_wait3A_84 : memref<640x16xf32, #tpu.memory_space<hbm>>)
      tpu.yield
    }) : () -> ()
    return
  }
}

module attributes {stable_mosaic.version = 14 : i64} {
  func.func @body(%arg0: i32, %arg1: memref<2000x128xf32, #tpu.memory_space<vmem>>, %arg2: memref<128x128xf32, #tpu.memory_space<vmem>>, %arg3: memref<2000x128xf32, #tpu.memory_space<vmem>>) attributes {dimension_semantics = [#tpu.dimension_semantics<arbitrary>], iteration_bounds = array<i64: 5>, scalar_prefetch = 0 : i64, scratch_operands = 0 : i64, tpu.core_type = #tpu.core_type<tc>, window_params = [{transform_indices = @transform_0, window_bounds = array<i64: 2000, 128>}, {pipeline_mode = #tpu.pipeline_mode<synchronous>, transform_indices = @transform_1, window_bounds = array<i64: 128, 128>}, {transform_indices = @transform_2, window_bounds = array<i64: 2000, 128>}]} {
    %get3A = arith.constant 0 : index
    %get3A_0 = arith.constant 0 : index
    %get3A_1 = vector.load %arg1[%get3A, %get3A_0] : memref<2000x128xf32, #tpu.memory_space<vmem>>, vector<2000x128xf32>
    %get3A_2 = arith.constant 0 : index
    %get3A_3 = arith.constant 0 : index
    %get3A_4 = vector.load %arg2[%get3A_2, %get3A_3] : memref<128x128xf32, #tpu.memory_space<vmem>>, vector<128x128xf32>
    %dot_general3A = arith.constant dense<0.000000e+00> : vector<2000x128xf32>
    %dot_general3A_5 = tpu.matmul %get3A_1, %get3A_4, %dot_general3A {dimension_numbers = #tpu.dot_dimension_numbers<[1], [0], [0], [1], [0, 0, 1, 1], [], []>, precision = #tpu.contract_precision<fp32>, transpose_lhs_hint = false} : vector<2000x128xf32>, vector<128x128xf32>, vector<2000x128xf32> -> vector<2000x128xf32>
    %swap3A = arith.constant 0 : index
    %swap3A_6 = arith.constant 0 : index
    %swap3A_7 = vector.load %arg3[%swap3A, %swap3A_6] : memref<2000x128xf32, #tpu.memory_space<vmem>>, vector<2000x128xf32>
    tpu.vector_store %arg3[%swap3A, %swap3A_6], %dot_general3A_5 {strides = array<i32>} : memref<2000x128xf32, #tpu.memory_space<vmem>>, vector<2000x128xf32>,
    return
  }
  func.func @transform_0(%arg0: i32) -> (i32, i32) {
    %c0_i32 = arith.constant 0 : i32
    %c0_i32_0 = arith.constant 0 : i32
    return %arg0, %c0_i32 : i32, i32
  }
  func.func @transform_1(%arg0: i32) -> (i32, i32) {
    %c0_i32 = arith.constant 0 : i32
    %c0_i32_0 = arith.constant 0 : i32
    %c0_i32_1 = arith.constant 0 : i32
    return %c0_i32, %c0_i32_0 : i32, i32
  }
  func.func @transform_2(%arg0: i32) -> (i32, i32) {
    %c0_i32 = arith.constant 0 : i32
    %c0_i32_0 = arith.constant 0 : i32
    return %arg0, %c0_i32 : i32, i32
  }
}

module attributes {stable_mosaic.version = 14 : i64} {
  func.func @body(%arg0: i32, %arg1: memref<2000x128xf32, #tpu.memory_space<vmem>>, %arg2: memref<2x2000x128xf32, #tpu.memory_space<vmem>>, %arg3: memref<2x2000x64xf32, #tpu.memory_space<vmem>>) attributes {dimension_semantics = [#tpu.dimension_semantics<arbitrary>], iteration_bounds = array<i64: 5>, scalar_prefetch = 0 : i64, scratch_operands = 0 : i64, tpu.core_type = #tpu.core_type<tc>, window_params = [{transform_indices = @transform_0, window_bounds = array<i64: 2000, 128>}, {transform_indices = @transform_1, window_bounds = array<i64: 2, 2000, 128>}, {transform_indices = @transform_2, window_bounds = array<i64: 2, 2000, 64>}]} {
    %get3A = arith.constant 0 : index
    %get3A_0 = arith.constant 0 : index
    %get3A_1 = arith.constant 0 : index
    %get3A_2 = vector.load %arg2[%get3A, %get3A_0, %get3A_1] : memref<2x2000x128xf32, #tpu.memory_space<vmem>>, vector<1x2000x1xf32>
    %get3A_3 = vector.shape_cast %get3A_2 : vector<1x2000x1xf32> to vector<2000xf32>
    %add3A = arith.constant 1.000000e+00 : f32
    %add3A_4 = vector.broadcast %add3A : f32 to vector<2000xf32>
    %add3A_5 = arith.addf %add3A_4, %get3A_3 : vector<2000xf32>
    %get3A_6 = arith.constant 1 : index
    %get3A_7 = arith.constant 0 : index
    %get3A_8 = arith.constant 0 : index
    %get3A_9 = vector.load %arg2[%get3A_6, %get3A_7, %get3A_8] : memref<2x2000x128xf32, #tpu.memory_space<vmem>>, vector<1x2000x1xf32>
    %get3A_10 = vector.shape_cast %get3A_9 : vector<1x2000x1xf32> to vector<2000xf32>
    %add3A_11 = arith.addf %add3A_5, %get3A_10 : vector<2000xf32>
    %rsqrt3A = math.rsqrt %add3A_11 : vector<2000xf32>
    %get3A_12 = arith.constant 0 : index
    %get3A_13 = arith.constant 0 : index
    %get3A_14 = vector.load %arg1[%get3A_12, %get3A_13] : memref<2000x128xf32, #tpu.memory_space<vmem>>, vector<2000x128xf32>
    %broadcast_in_dim3A = vector.shape_cast %rsqrt3A : vector<2000xf32> to vector<2000x1xf32>
    %mul3A = vector.broadcast %broadcast_in_dim3A : vector<2000x1xf32> to vector<2000x128xf32>
    %mul3A_15 = arith.mulf %get3A_14, %mul3A : vector<2000x128xf32>
    %slice3A = vector.extract_strided_slice %mul3A_15 {offsets = [0, 0], sizes = [2000, 64], strides = [1, 1]} : vector<2000x128xf32> to vector<2000x64xf32>
    %swap3A = arith.constant 0 : index
    %swap3A_16 = arith.constant 0 : index
    %swap3A_17 = arith.constant 0 : index
    %swap3A_18 = vector.load %arg3[%swap3A, %swap3A_16, %swap3A_17] : memref<2x2000x64xf32, #tpu.memory_space<vmem>>, vector<1x2000x64xf32>
    %swap3A_19 = vector.shape_cast %swap3A_18 : vector<1x2000x64xf32> to vector<2000x64xf32>
    %swap3A_20 = vector.shape_cast %slice3A : vector<2000x64xf32> to vector<1x2000x64xf32>
    tpu.vector_store %arg3[%swap3A, %swap3A_16, %swap3A_17], %swap3A_20 {strides = array<i32>} : memref<2x2000x64xf32, #tpu.memory_space<vmem>>, vector<1x2000x64xf32>,
    %slice3A_21 = vector.extract_strided_slice %mul3A_15 {offsets = [0, 64], sizes = [2000, 64], strides = [1, 1]} : vector<2000x128xf32> to vector<2000x64xf32>
    %swap3A_22 = arith.constant 1 : index
    %swap3A_23 = arith.constant 0 : index
    %swap3A_24 = arith.constant 0 : index
    %swap3A_25 = vector.load %arg3[%swap3A_22, %swap3A_23, %swap3A_24] : memref<2x2000x64xf32, #tpu.memory_space<vmem>>, vector<1x2000x64xf32>
    %swap3A_26 = vector.shape_cast %swap3A_25 : vector<1x2000x64xf32> to vector<2000x64xf32>
    %swap3A_27 = vector.shape_cast %slice3A_21 : vector<2000x64xf32> to vector<1x2000x64xf32>
    tpu.vector_store %arg3[%swap3A_22, %swap3A_23, %swap3A_24], %swap3A_27 {strides = array<i32>} : memref<2x2000x64xf32, #tpu.memory_space<vmem>>, vector<1x2000x64xf32>,
    return
  }
  func.func @transform_0(%arg0: i32) -> (i32, i32) {
    %c0_i32 = arith.constant 0 : i32
    %c0_i32_0 = arith.constant 0 : i32
    return %arg0, %c0_i32 : i32, i32
  }
  func.func @transform_1(%arg0: i32) -> (i32, i32, i32) {
    %c0_i32 = arith.constant 0 : i32
    %c0_i32_0 = arith.constant 0 : i32
    %c0_i32_1 = arith.constant 0 : i32
    return %c0_i32, %arg0, %c0_i32_0 : i32, i32, i32
  }
  func.func @transform_2(%arg0: i32) -> (i32, i32, i32) {
    %c0_i32 = arith.constant 0 : i32
    %c0_i32_0 = arith.constant 0 : i32
    %c0_i32_1 = arith.constant 0 : i32
    return %c0_i32, %arg0, %c0_i32_0 : i32, i32, i32
  }
}

module attributes {stable_mosaic.version = 14 : i64} {
  func.func @body(%arg0: i32, %arg1: memref<2x2000x128xf32, #tpu.memory_space<vmem>>, %arg2: memref<2x2000x64xf32, #tpu.memory_space<vmem>>, %arg3: memref<2x2000x128xf32, #tpu.memory_space<vmem>>, %arg4: memref<1x128xf32, #tpu.memory_space<vmem>>, %arg5: memref<2000x128xf32, #tpu.memory_space<vmem>>) attributes {dimension_semantics = [#tpu.dimension_semantics<arbitrary>], iteration_bounds = array<i64: 5>, scalar_prefetch = 0 : i64, scratch_operands = 0 : i64, tpu.core_type = #tpu.core_type<tc>, window_params = [{transform_indices = @transform_0, window_bounds = array<i64: 2, 2000, 128>}, {transform_indices = @transform_1, window_bounds = array<i64: 2, 2000, 64>}, {transform_indices = @transform_2, window_bounds = array<i64: 2, 2000, 128>}, {pipeline_mode = #tpu.pipeline_mode<synchronous>, transform_indices = @transform_3, window_bounds = array<i64: 1, 128>}, {transform_indices = @transform_4, window_bounds = array<i64: 2000, 128>}]} {
    %get3A = arith.constant 0 : index
    %get3A_0 = arith.constant 0 : index
    %get3A_1 = arith.constant 0 : index
    %get3A_2 = vector.load %arg3[%get3A, %get3A_0, %get3A_1] : memref<2x2000x128xf32, #tpu.memory_space<vmem>>, vector<1x2000x1xf32>
    %get3A_3 = vector.shape_cast %get3A_2 : vector<1x2000x1xf32> to vector<2000xf32>
    %add3A = arith.constant 1.000000e+00 : f32
    %add3A_4 = vector.broadcast %add3A : f32 to vector<2000xf32>
    %add3A_5 = arith.addf %add3A_4, %get3A_3 : vector<2000xf32>
    %get3A_6 = arith.constant 1 : index
    %get3A_7 = arith.constant 0 : index
    %get3A_8 = arith.constant 0 : index
    %get3A_9 = vector.load %arg3[%get3A_6, %get3A_7, %get3A_8] : memref<2x2000x128xf32, #tpu.memory_space<vmem>>, vector<1x2000x1xf32>
    %get3A_10 = vector.shape_cast %get3A_9 : vector<1x2000x1xf32> to vector<2000xf32>
    %add3A_11 = arith.addf %add3A_5, %get3A_10 : vector<2000xf32>
    %rsqrt3A = math.rsqrt %add3A_11 : vector<2000xf32>
    %get3A_12 = arith.constant 0 : index
    %get3A_13 = arith.constant 0 : index
    %get3A_14 = arith.constant 0 : index
    %get3A_15 = vector.load %arg1[%get3A_12, %get3A_13, %get3A_14] : memref<2x2000x128xf32, #tpu.memory_space<vmem>>, vector<1x2000x64xf32>
    %get3A_16 = vector.shape_cast %get3A_15 : vector<1x2000x64xf32> to vector<2000x64xf32>
    %get3A_17 = arith.constant 0 : index
    %get3A_18 = arith.constant 0 : index
    %get3A_19 = arith.constant 0 : index
    %get3A_20 = vector.load %arg2[%get3A_17, %get3A_18, %get3A_19] : memref<2x2000x64xf32, #tpu.memory_space<vmem>>, vector<1x2000x64xf32>
    %get3A_21 = vector.shape_cast %get3A_20 : vector<1x2000x64xf32> to vector<2000x64xf32>
    %add3A_22 = arith.addf %get3A_16, %get3A_21 : vector<2000x64xf32>
    %get3A_23 = arith.constant 1 : index
    %get3A_24 = arith.constant 0 : index
    %get3A_25 = arith.constant 0 : index
    %get3A_26 = vector.load %arg1[%get3A_23, %get3A_24, %get3A_25] : memref<2x2000x128xf32, #tpu.memory_space<vmem>>, vector<1x2000x64xf32>
    %get3A_27 = vector.shape_cast %get3A_26 : vector<1x2000x64xf32> to vector<2000x64xf32>
    %get3A_28 = arith.constant 1 : index
    %get3A_29 = arith.constant 0 : index
    %get3A_30 = arith.constant 0 : index
    %get3A_31 = vector.load %arg2[%get3A_28, %get3A_29, %get3A_30] : memref<2x2000x64xf32, #tpu.memory_space<vmem>>, vector<1x2000x64xf32>
    %get3A_32 = vector.shape_cast %get3A_31 : vector<1x2000x64xf32> to vector<2000x64xf32>
    %add3A_33 = arith.addf %get3A_27, %get3A_32 : vector<2000x64xf32>
    %concatenate3A = tpu.concatenate %add3A_22, %add3A_33 in 1 : vector<2000x64xf32>, vector<2000x64xf32> -> vector<2000x128xf32>
    %broadcast_in_dim3A = vector.shape_cast %rsqrt3A : vector<2000xf32> to vector<2000x1xf32>
    %mul3A = vector.broadcast %broadcast_in_dim3A : vector<2000x1xf32> to vector<2000x128xf32>
    %mul3A_34 = arith.mulf %concatenate3A, %mul3A : vector<2000x128xf32>
    %get3A_35 = arith.constant 0 : index
    %get3A_36 = arith.constant 0 : index
    %get3A_37 = vector.load %arg4[%get3A_35, %get3A_36] : memref<1x128xf32, #tpu.memory_space<vmem>>, vector<1x128xf32>
    %add3A_38 = vector.broadcast %get3A_37 : vector<1x128xf32> to vector<2000x128xf32>
    %add3A_39 = arith.addf %mul3A_34, %add3A_38 : vector<2000x128xf32>
    %max3A = arith.constant 0.000000e+00 : f32
    %max3A_40 = vector.broadcast %max3A : f32 to vector<2000x128xf32>
    %max3A_41 = arith.maximumf %add3A_39, %max3A_40 : vector<2000x128xf32>
    %swap3A = arith.constant 0 : index
    %swap3A_42 = arith.constant 0 : index
    %swap3A_43 = vector.load %arg5[%swap3A, %swap3A_42] : memref<2000x128xf32, #tpu.memory_space<vmem>>, vector<2000x128xf32>
    tpu.vector_store %arg5[%swap3A, %swap3A_42], %max3A_41 {strides = array<i32>} : memref<2000x128xf32, #tpu.memory_space<vmem>>, vector<2000x128xf32>,
    return
  }
  func.func @transform_0(%arg0: i32) -> (i32, i32, i32) {
    %c0_i32 = arith.constant 0 : i32
    %c0_i32_0 = arith.constant 0 : i32
    %c0_i32_1 = arith.constant 0 : i32
    return %c0_i32, %arg0, %c0_i32_0 : i32, i32, i32
  }
  func.func @transform_1(%arg0: i32) -> (i32, i32, i32) {
    %c0_i32 = arith.constant 0 : i32
    %c0_i32_0 = arith.constant 0 : i32
    %c0_i32_1 = arith.constant 0 : i32
    return %c0_i32, %arg0, %c0_i32_0 : i32, i32, i32
  }
  func.func @transform_2(%arg0: i32) -> (i32, i32, i32) {
    %c0_i32 = arith.constant 0 : i32
    %c0_i32_0 = arith.constant 0 : i32
    %c0_i32_1 = arith.constant 0 : i32
    return %c0_i32, %arg0, %c0_i32_0 : i32, i32, i32
  }
  func.func @transform_3(%arg0: i32) -> (i32, i32) {
    %c0_i32 = arith.constant 0 : i32
    %c0_i32_0 = arith.constant 0 : i32
    %c0_i32_1 = arith.constant 0 : i32
    return %c0_i32, %c0_i32_0 : i32, i32
  }
  func.func @transform_4(%arg0: i32) -> (i32, i32) {
    %c0_i32 = arith.constant 0 : i32
    %c0_i32_0 = arith.constant 0 : i32
    return %arg0, %c0_i32 : i32, i32
  }
}

</mosaic_0001>

<sc_bundles>
// kernel: kernel.10.cloned.1.call-start
scs
__scs_entry_jumppad:
0x0: {  	(pc) =	sbr.rel $0x88, $3  }
0x1: {  	(tag) =	ssettag $0x0;
	lr =	simm.s32 $0x1  }
0x2: {  	[smem:$0x3F9D] =	sst lr;
	_ =	strace $0xD0000000  }
0x3: {  	_ = 	snop  }
0x4: {  	_ = 	snop  }
0x5: {  	_ = 	snop  }
0x6: {  	_ = 	snop  }
0x7: {  	_ = 	snop  }
__scs_overlays_trampoline_lowered:
0x8: {  	[smem:$0x3FAC] =	sst s0  }
0x9: {  	[smem:$0x3FAD] =	sst s1  }
0xa: {  	[smem:$0x3FAE] =	sst s2  }
0xb: {  	[smem:$0x3FAF] =	sst s3  }
0xc: {  	[smem:$0x3FB0] =	sst s4  }
0xd: {  	[smem:$0x3FB1] =	sst s5  }
0xe: {  	[smem:$0x3FB2] =	sst s6  }
0xf: {  	[smem:$0x3FB3] =	sst s7  }
0x10: {  	[smem:$0x3FB4] =	sst s8  }
0x11: {  	[smem:$0x3FB5] =	sst s9;
	s0 =	simm.s32 @!p0 $0x0  }
0x12: {  	s1 =	sld [smem:$0x3F9B];
	s0 =	simm.s32 @p0 $0x1  }
0x13: {  	[smem:$0x3FB6] =	sst s0;
	s0 =	simm.s32 @!p1 $0x0  }
0x14: {  	s2 =	sld [smem:$0x3F9A];
	s0 =	simm.s32 @p1 $0x1  }
0x15: {  	[smem:$0x3FB7] =	sst s0;
	s0 =	simm.s32 @!p2 $0x0  }
0x16: {  	s3 =	sld [smem:$0x3FDB];
	s0 =	simm.s32 @p2 $0x1  }
0x17: {  	s4 =	simm.s32 $0x1BF5;
	[smem:$0x3FB9] =	sst s0  }
0x18: {  	s0 =	sld [smem:$0x3F9C];
	_ =	swait.ge [sflag:s4], $0x0  }
0x19: {  	s7 =	sld [smem:$0x3F9D]  }
0x1a: {  	s8 =	sadd.s32 $0xFFFFE003, lr  }
0x1b: {  	s9 =	sadd.s32 $0xFFFFFEF7, lr;
	s5 =	simm.s32 $0xFFFFFFFF;
	p2 =	slt.u32 s8, $0xFFFFF086  }
0x1c: {  	p1 =	slt.u32 s9, $0xF7A;
	s5 =	simm.s32 @!p2 $0x0  }
0x1d: {  	s5 =	simm.s32 @p1 $0x1;
	p0 =	seq.s32 s7, s2  }
0x1e: {  	s7 =	smul.u32 @!p0 $0xF7A, s2;
	p2 =	seq.s32 @!p0 s5, $0x0  }
0x1f: {  	s9 =	smul.u32 $0xF7A, s1;
	s8 =	simm.s32 @!p0 $0x1BF5;
	p2 =	por !p2, p0  }
0x20: {  	[sflag:s8] =	ssyncset.s32 @!p0 $0xFFFFF086;
	s6 =	sadd.s32 @!p0 s3, s7;
	s7 =	simm.s32 @!p0 $0x108  }
0x21: {  	s3 =	sadd.s32 s3, s9;
	s6 =	sadd.s32 @!p0 $0x88, s6;
	s7 =	simm.s32 @p2 $0x1082  }
0x22: {  	[simem:s7], [sflag:s8] =	dma.local @!p0 [hbm:s6], $0xF7A  }
0x23: {  	s9 =	sor.u32 $0xD0000000, s2;
	s6 =	simm.s32 $0x108;
	_ =	swait.ge @!p0 [sflag:s8], $0x0  }
0x24: {  	s3 =	sadd.s32 $0x88, s3;
	s6 =	simm.s32 @!p1 $0x1082;
	[sflag:s4] =	ssyncset.s32 $0xFFFFF086  }
0x25: {  	[simem:s6], [sflag:s4] =	dma.local [hbm:s3], $0xF7A  }
0x26: {  	[smem:$0x3F9D] =	sst s1;
	(tag) =	ssettag s2;
	_ =	strace s9  }
0x27: {  	s1 =	sld [smem:$0x3FAD]  }
0x28: {  	s2 =	sld [smem:$0x3FAE]  }
0x29: {  	s4 =	sld [smem:$0x3FB0]  }
0x2a: {  	p0 =	seq.s32 s5, $0x0;
	s5 =	sld [smem:$0x3FB1]  }
0x2b: {  	s6 =	sld [smem:$0x3FB2]  }
0x2c: {  	s7 =	sld [smem:$0x3FB3]  }
0x2d: {  	s3 =	simm.s32 $0x108;
	s8 =	sld [smem:$0x3FB4]  }
0x2e: {  	s3 =	simm.s32 @!p0 $0x1082;
	s9 =	sld [smem:$0x3FB5]  }
0x2f: {  	lr =	sadd.s32 s0, s3;
	s0 =	sld [smem:$0x3FAC]  }
0x30: {  	s3 =	sld [smem:$0x3FAF]  }
0x31: {  	[smem:$0x3FB8] =	sst s10  }
0x32: {  	s10 =	sld [smem:$0x3FB6];
	_ =	sdelay $0x3  }
0x33: {  	p0 =	seq.s32 s10, $0x1;
	s10 =	sld [smem:$0x3FB8];
	_ =	sdelay $0x3  }
0x34: {  	[smem:$0x3FB8] =	sst s10  }
0x35: {  	s10 =	sld [smem:$0x3FB7];
	_ =	sdelay $0x3  }
0x36: {  	p1 =	seq.s32 s10, $0x1;
	s10 =	sld [smem:$0x3FB8];
	_ =	sdelay $0x3  }
0x37: {  	[smem:$0x3FB8] =	sst s10  }
0x38: {  	s10 =	sld [smem:$0x3FB9]  }
0x39: {  	_ = 	snop;
	(pc) =	sbr.ind lr, $3  }
0x3a: {  	_ = 	snop  }
0x3b: {  	_ = 	snop  }
0x3c: {  	p2 =	seq.s32 s10, $0x1;
	s10 =	sld [smem:$0x3FB8]  }
0x3d: {  	_ =	shalt  }
0x3e: {  	_ =	shalt  }
0x3f: {  	_ =	shalt  }
0x40: {  	_ =	shalt  }
0x41: {  	_ =	shalt  }
0x42: {  	_ =	shalt  }
0x43: {  	_ =	shalt  }
0x44: {  	_ =	shalt  }
0x45: {  	_ =	shalt  }
0x46: {  	_ =	shalt  }
0x47: {  	_ =	shalt  }
0x48: {  	_ =	shalt  }
0x49: {  	_ =	shalt  }
0x4a: {  	_ =	shalt  }
0x4b: {  	_ =	shalt  }
0x4c: {  	_ =	shalt  }
0x4d: {  	_ =	shalt  }
0x4e: {  	_ =	shalt  }
0x4f: {  	_ =	shalt  }
0x50: {  	_ =	shalt  }
0x51: {  	_ =	shalt  }
0x52: {  	_ =	shalt  }
0x53: {  	_ =	shalt  }
0x54: {  	_ =	shalt  }
0x55: {  	_ =	shalt  }
0x56: {  	_ =	shalt  }
0x57: {  	_ =	shalt  }
0x58: {  	_ =	shalt  }
0x59: {  	_ =	shalt  }
0x5a: {  	_ =	shalt  }
0x5b: {  	_ =	shalt  }
0x5c: {  	_ =	shalt  }
0x5d: {  	_ =	shalt  }
0x5e: {  	_ =	shalt  }
0x5f: {  	_ =	shalt  }
0x60: {  	_ =	shalt  }
0x61: {  	_ =	shalt  }
0x62: {  	_ =	shalt  }
0x63: {  	_ =	shalt  }
0x64: {  	_ =	shalt  }
0x65: {  	_ =	shalt  }
0x66: {  	_ =	shalt  }
0x67: {  	_ =	shalt  }
0x68: {  	_ =	shalt  }
0x69: {  	_ =	shalt  }
0x6a: {  	_ =	shalt  }
0x6b: {  	_ =	shalt  }
0x6c: {  	_ =	shalt  }
0x6d: {  	_ =	shalt  }
0x6e: {  	_ =	shalt  }
0x6f: {  	_ =	shalt  }
0x70: {  	_ =	shalt  }
0x71: {  	_ =	shalt  }
0x72: {  	_ =	shalt  }
0x73: {  	_ =	shalt  }
0x74: {  	_ =	shalt  }
0x75: {  	_ =	shalt  }
0x76: {  	_ =	shalt  }
0x77: {  	_ =	shalt  }
0x78: {  	_ =	shalt  }
0x79: {  	_ =	shalt  }
0x7a: {  	_ =	shalt  }
0x7b: {  	_ =	shalt  }
0x7c: {  	_ =	shalt  }
0x7d: {  	_ =	shalt  }
0x7e: {  	_ =	shalt  }
0x7f: {  	_ =	shalt  }
0x80: {  	_ =	shalt  }
0x81: {  	_ =	shalt  }
0x82: {  	_ =	shalt  }
0x83: {  	_ =	shalt  }
0x84: {  	_ =	shalt  }
0x85: {  	_ =	shalt  }
0x86: {  	_ =	shalt  }
0x87: {  	_ =	shalt  }
.Lfunc_end0:
.L_simem_size_0:
called_computation.1_lowered:
.L_overlay_start_0:
0x88: {  	s2 =	sld [smem:$0x3FD9]  }
0x89: {  	s3 =	sld [smem:$0x3FFE];
	_ =	sdelay $0x1  }
0x8a: {  	s1 =	srdreg.scid  }
0x8b: {  	s0 =	sand.u32 $0x1, s1  }
0x8c: {  	s17 =	sshll.u32 s0, $0xA;
	s2 =	sadd.s32 s3, s2  }
0x8d: {  	s2 =	sadd.s32 s2, s17  }
0x8e: {  	[smem:$0x3FC4] =	sst s2  }
0x8f: {  	_ = 	snop  }
0x90: {  	s2 =	sld [smem:$0x3FD0];
	(tm) =	ssettm $0x1  }
0x91: {  	s18 =	sld [smem:$0x3FFB];
	_ =	sdelay $0x3  }
0x92: {  	_ =	strace s18  }
0x93: {  	s3 =	sld [smem:$0x3FFC];
	_ =	sdelay $0x3  }
0x94: {  	_ =	strace s3  }
0x95: {  	s3 =	sld [smem:$0x3FFD];
	_ =	sdelay $0x3  }
0x96: {  	_ =	strace s3  }
0x97: {  	_ =	strace $0x8FFFFFFF  }
0x98: {  	s19 =	sld [smem:$0x3FDB];
	_ =	sdelay $0x1  }
0x99: {  	s4 =	simm.s32 $_scs_section_size  }
0x9a: {  	s5 =	simm.s32 $_size__tile_overlayer_lowered;
	s6 =	simm.s32 $_tile_overlayer_lowered  }
0x9b: {  	s22 =	simm.s32 $0x1BFF;
	s21 =	sshll.u32 s6, $0x1;
	s3 =	sadd.s32 s4, s19  }
0x9c: {  	s7 =	simm.s32 $0x0;
	s20 =	sshll.u32 s5, $0x1;
	s5 =	sadd.s32 s21, s3  }
0x9d: {  	[timem:s7], [sflag:s22] =	dma.local [hbm:s5], s20  }
0x9e: {  	_ =	swait.ge [sflag:s22], s20  }
0x9f: {  	s4 =	ssub.s32 $0x0, s20;
	[sflag:s22] =	ssyncset.done $0x0  }
0xa0: {  	[sflag:s22] =	ssyncadd.s32 s4;
	_ =	sdelay $0x1  }
0xa1: {  	s23 =	simm.s32 $0x1B8B  }
0xa2: {  	_ =	swait.ge [sflag:s23], $0x1  }
0xa3: {  	[sflag:s23] =	ssyncset.done $0x0  }
0xa4: {  	s25 =	simm.s32 $0x1B8E;
	s24 =	sld [smem:$0x3FFE];
	[sflag:s23] =	ssyncadd.s32 $0xFFFFFFFF  }
0xa5: {  	s26 =	simm.s32 $execute0_lowered;
	[smem:$0x3FD2] =	sst s25  }
0xa6: {  	s5 =	sshll.u32 s26, $0x1;
	_ =	strace $0x80000049;
	[dreg:$0x1] =	wrdreg $0xFFFFFFFF  }
0xa7: {  	s28 =	simm.s32 $_size_execute0_lowered;
	s3 =	sadd.s32 s3, s5;
	[dreg:$0x0] =	wrdreg $0x0  }
0xa8: {  	s5 =	sshll.u32 s28, $0x1;
	[dreg:$0x2] =	wrdreg s3  }
0xa9: {  	[dreg:$0x3] =	wrdreg s5  }
0xaa: {  	[dreg:$0x4] =	wrdreg $0xC0  }
0xab: {  	_ =	task [dreg:s7], $0x5FFFF  }
0xac: {  	[dreg:$0x1] =	wrdreg $0xFFFFFFFF  }
0xad: {  	[dreg:$0x0] =	wrdreg $0x60  }
0xae: {  	[dreg:$0x2] =	wrdreg s2  }
0xaf: {  	[dreg:$0x3] =	wrdreg s24  }
0xb0: {  	[dreg:$0x4] =	wrdreg $0xC0000  }
0xb1: {  	[dreg:$0x5] =	wrdreg $0x9  }
0xb2: {  	_ =	task.clear_ibuf [dreg:s7], $0x6FFFF;
	_ =	strace $0x90000049  }
0xb3: {  	s29 =	simm.s32 $0x9;
	_ =	strace $0x8000004B  }
0xb4: {  	_ =	swait.ge [sflag:s29], $0x1  }
0xb5: {  	[sflag:s29] =	ssyncadd.s32 $0xFFFFFFFF  }
0xb6: {  	_ =	strace $0x9000004B  }
0xb7: {  	_ =	sfence  }
0xb8: {  	s30 =	sld [smem:$0x0];
	_ =	sdelay $0x2  }
0xb9: {  	s31 =	sshll.u32 s1, $0xD;
	s1 =	sshrl.u32 s1, $0x2  }
0xba: {  	s3 =	sand.u32 $0x4000, s31;
	s1 =	sadd.s32 s1, s30  }
0xbb: {  	s0 =	sor.u32 s3, s0;
	s1 =	sshll.u32 s1, $0x11  }
0xbc: {  	s0 =	sor.u32 s1, s0  }
0xbd: {  	s0 =	sadd.s32 $0x8F2B, s0  }
0xbe: {  	[sflag:s0] =	ssyncadd.remote.s32 $0x1  }
0xbf: {  	_ =	sfence.sel $0xFFFF  }
0xc0: {  	[dreg:$0x0] =	wrdreg $0xFFFFFFFF;
	(pc) =	sbr.abs _section_cstart, $3  }
0xc1: {  	[dreg:$0x1] =	wrdreg $0xFFFFFFFF  }
0xc2: {  	_ =	task.clear_ibuf [dreg:s7], $0x2FFFF;
	_ =	strace $0x9FFFFFFF  }
0xc3: {  	(tm) =	ssettm $0x7FFFFFFF  }
tec
execute0_lowered:
.L_overlay_start_1:
0x0: {  	(tag) =	ssettag $0x1  }
0x1: {  	s1 =	rddreg [dreg:$0x0]  }
0x2: {  	s0 =	srdreg.scid;
	s2 =	rddreg [dreg:$0x1]  }
0x3: {  	s9 =	stileid.u32;
	s3 =	rddreg [dreg:$0x2]  }
0x4: {  	s4 =	simm.s32 $0x0;
	s14 =	simm.s32 $0xB;
	s15 =	simm.s32 $0x5000  }
0x5: {  	s16 =	simm.s32 $0xA000;
	s17 =	simm.s32 $0x80;
	s18 =	simm.s32 $0x16000  }
0x6: {  	s19 =	simm.s32 $0x18000;
	s21 =	simm.s32 $0x1A000;
	s23 =	simm.s32 $0x1C000  }
0x7: {  	s28 =	simm.s32 $0x2;
	s30 =	simm.s32 $0x3;
	s5 =	smul.u32 $0x5000, s9  }
0x8: {  	s20 =	simm.s32 $0x5;
	s29 =	simm.s32 $0x7;
	s8 =	smul.u32 $0x14000, s9  }
0x9: {  	s31 =	simm.s32 $0x8;
	s0 =	sand.u32 $0x1, s0;
	s24 =	smul.u32 $0x28000, s9  }
0xa: {  	s22 =	simm.s32 $0xA;
	[smem:$0x7FF] =	sst s4;
	s6 =	smul.u32 $0x50000, s0  }
0xb: {  	s9 =	simm.s32 $0x10;
	s7 =	smul.u32 $0x140000, s0;
	s0 =	ssub.s32 $0x2, s0  }
0xc: {  	_ =	strace $0x8000004A;
	s25 =	sshrl.u32 s0, $0x1;
	s26 =	sshrl.u32 s24, $0x2  }
0xd: {  	s24 =	simm.s32 $0x6;
	s6 =	sadd.s32 s5, s6;
	s5 =	sshrl.u32 s5, $0x3  }
0xe: {  	s7 =	sadd.s32 s8, s7;
	s0 =	ssub.s32 s0, s25;
	s25 =	simm.s32 $0x1E000  }
0xf: {  	s6 =	sshrl.u32 s6, $0x3;
	s5 =	sadd.s32 s5, s2;
	s7 =	sshrl.u32 s7, $0x3  }
0x10: {  	s0 =	smax.u32 s0, $0x1;
	s6 =	sadd.s32 s6, s2;
	s2 =	sadd.s32 s7, s2  }
0x11: {  	s5 =	sadd.s32 $0x1A00, s5;
	s7 =	sadd.s32 s26, s3;
	[dreg:$0x7] =	wrdreg s0  }
0x12: {  	s26 =	simm.s32 $0x1;
	s0 =	simm.s32 $0x9;
	s6 =	sadd.s32 $0x5BA00, s6  }
0x13: {  	[dreg:$0x5] =	wrdreg s5;
	s2 =	sadd.s32 $0x6FA00, s2;
	s10 =	sadd.s32 $0x2000, s7  }
0x14: {  	s11 =	sadd.s32 $0x4000, s7;
	s12 =	sadd.s32 $0x6000, s7;
	[dreg:$0x4] =	wrdreg s6  }
0x15: {  	v0 =	vimm.f32 $0.0e+00;
	s13 =	sadd.s32 $0x8000, s7;
	[dreg:$0x6] =	wrdreg s2;
	s2 =	simm.s32 $0x4  }
.LBB2_1:
0x16: {  	s6 =	simm.s32 $0x100;
	s5 =	simm.s32 $0x0  }
.LBB2_2:
0x17: {  	p0 =	sne.s32 s6, $0x7F00;
	[tilespmem:s5+$0xA030] =	vst v0;
	s8 =	smov.u32 s6;
	s6 =	sadd.s32 $0x100, s6  }
.Ltmp0:
0x18: {  	[tilespmem:s5+$0xA020] =	vst v0;
	(pc) =	sbr.rel @p0 .LBB2_2-.Ltmp0, $3  }
0x19: {  	[tilespmem:s5+$0xA000] =	vst v0  }
0x1a: {  	[tilespmem:s5+$0xA010] =	vst v0;
	_ =	sdelay $0x1  }
0x1b: {  	s5 =	sshra.s32 s8, $0x2  }
0x1c: {  	[tilespmem:s5+$0xA030] =	vst v0  }
0x1d: {  	[tilespmem:s5+$0xA020] =	vst v0  }
0x1e: {  	[tilespmem:s5+$0xA000] =	vst v0  }
0x1f: {  	[tilespmem:s5+$0xA010] =	vst v0;
	s5 =	simm.s32 $0x0;
	s6 =	rddreg [dreg:$0x4]  }
0x20: {  	[tilespmem:s5], [sflag:$0xB] =	stream.linear.gather [hbm4b:s6+s5], $0x5000, $0x38;
	v63 =	vld [tilespmem:$0x0]  }
0x21: {  	_ =	swait.ge [sflag:s14], $0x5000  }
0x22: {  	[sflag:s14] =	ssyncset.done $0x0  }
0x23: {  	s8 =	rddreg [dreg:$0x5];
	[sflag:s14] =	ssyncadd.s32 $0xFFFFB000  }
0x24: {  	[tilespmem:s15], [sflag:$0xB] =	stream.linear.gather [hbm4b:s8+s5], $0x5000, $0x38;
	v63 =	vld [tilespmem:$0x0]  }
0x25: {  	_ =	swait.ge [sflag:s14], $0x5000  }
0x26: {  	[sflag:s14] =	ssyncset.done $0x0  }
0x27: {  	[sflag:s14] =	ssyncadd.s32 $0xFFFFB000  }
0x28: {  	[spmem:s7] =	stream.linear.scatter [tilespmem:s16], [sflag:$0xB], $0x2000, $0x38;
	v63 =	vld [tilespmem:$0x0]  }
0x29: {  	_ =	swait.ge [sflag:s14], $0x2000  }
0x2a: {  	[sflag:s14] =	ssyncset.done $0x0  }
0x2b: {  	[sflag:s14] =	ssyncadd.s32 $0xFFFFE000  }
0x2c: {  	[spmem:s10] =	stream.linear.scatter [tilespmem:s16], [sflag:$0xB], $0x2000, $0x38;
	v63 =	vld [tilespmem:$0x0]  }
0x2d: {  	_ =	swait.ge [sflag:s14], $0x2000  }
0x2e: {  	[sflag:s14] =	ssyncset.done $0x0  }
0x2f: {  	[sflag:s14] =	ssyncadd.s32 $0xFFFFE000  }
0x30: {  	[spmem:s11] =	stream.linear.scatter [tilespmem:s16], [sflag:$0xB], $0x2000, $0x38;
	v63 =	vld [tilespmem:$0x0]  }
0x31: {  	_ =	swait.ge [sflag:s14], $0x2000  }
0x32: {  	[sflag:s14] =	ssyncset.done $0x0  }
0x33: {  	[sflag:s14] =	ssyncadd.s32 $0xFFFFE000  }
0x34: {  	[spmem:s12] =	stream.linear.scatter [tilespmem:s16], [sflag:$0xB], $0x2000, $0x38;
	v63 =	vld [tilespmem:$0x0]  }
0x35: {  	_ =	swait.ge [sflag:s14], $0x2000  }
0x36: {  	[sflag:s14] =	ssyncset.done $0x0  }
0x37: {  	[sflag:s14] =	ssyncadd.s32 $0xFFFFE000  }
0x38: {  	[spmem:s13] =	stream.linear.scatter [tilespmem:s16], [sflag:$0xB], $0x2000, $0x38;
	v63 =	vld [tilespmem:$0x0]  }
0x39: {  	_ =	swait.ge [sflag:s14], $0x2000  }
0x3a: {  	[sflag:s14] =	ssyncset.done $0x0  }
0x3b: {  	[sflag:s14] =	ssyncadd.s32 $0xFFFFE000  }
0x3c: {  	[bflag:$0x0] =	sbarrier.arrive $0xFFFF  }
0x3d: {  	[tilespmem:s18], [sflag:$0x1] =	stream.indirect.gather [hbm4b:s1+s17], $0x40, s5, s17, $0xb8;
	v63 =	vld [tilespmem:$0x0]  }
0x3e: {  	_ = 	snop  }
0x3f: {  	[tilespmem:s19], [sflag:$0x2] =	stream.indirect.gather [hbm4b:s1+s17], $0x40, s17, s17, $0xb8;
	v63 =	vld [tilespmem:$0x0]  }
0x40: {  	s6 =	simm.s32 $0x100  }
0x41: {  	[tilespmem:s21], [sflag:$0x3] =	stream.indirect.gather [hbm4b:s1+s17], $0x40, s6, s17, $0xb8;
	v63 =	vld [tilespmem:$0x0]  }
0x42: {  	s8 =	simm.s32 $0x180  }
0x43: {  	[tilespmem:s23], [sflag:$0x4] =	stream.indirect.gather [hbm4b:s1+s17], $0x40, s8, s17, $0xb8;
	v63 =	vld [tilespmem:$0x0]  }
0x44: {  	s6 =	simm.s32 $0x200  }
0x45: {  	[tilespmem:s25], [sflag:$0x5] =	stream.indirect.gather [hbm4b:s1+s17], $0x40, s6, s17, $0xb8;
	v63 =	vld [tilespmem:$0x0]  }
0x46: {  	_ =	swait.ge [sflag:s26], $0x2000  }
0x47: {  	[sflag:s26] =	ssyncset.done $0x0  }
0x48: {  	[sflag:s26] =	ssyncadd.s32 $0xFFFFE000  }
0x49: {  	[spmem:s3] =	stream.indirect.scatter.add.f32 [tilespmem:s18], [sflag:$0x6], $0x40, s15, s17, $0xb8;
	v63 =	vld [tilespmem:$0x0]  }
0x4a: {  	_ =	swait.ge [sflag:s28], $0x2000  }
0x4b: {  	[sflag:s28] =	ssyncset.done $0x0  }
0x4c: {  	s8 =	simm.s32 $0x5080;
	[sflag:s28] =	ssyncadd.s32 $0xFFFFE000  }
0x4d: {  	[spmem:s3] =	stream.indirect.scatter.add.f32 [tilespmem:s19], [sflag:$0x7], $0x40, s8, s17, $0xb8;
	v63 =	vld [tilespmem:$0x0]  }
0x4e: {  	_ =	swait.ge [sflag:s30], $0x2000  }
0x4f: {  	[sflag:s30] =	ssyncset.done $0x0  }
0x50: {  	s6 =	simm.s32 $0x5100;
	[sflag:s30] =	ssyncadd.s32 $0xFFFFE000  }
0x51: {  	[spmem:s3] =	stream.indirect.scatter.add.f32 [tilespmem:s21], [sflag:$0x8], $0x40, s6, s17, $0xb8;
	v63 =	vld [tilespmem:$0x0]  }
0x52: {  	_ =	swait.ge [sflag:s2], $0x2000  }
0x53: {  	[sflag:s2] =	ssyncset.done $0x0  }
0x54: {  	s8 =	simm.s32 $0x5180;
	[sflag:s2] =	ssyncadd.s32 $0xFFFFE000  }
0x55: {  	[spmem:s3] =	stream.indirect.scatter.add.f32 [tilespmem:s23], [sflag:$0x9], $0x40, s8, s17, $0xb8;
	v63 =	vld [tilespmem:$0x0]  }
0x56: {  	_ =	swait.ge [sflag:s20], $0x2000  }
0x57: {  	[sflag:s20] =	ssyncset.done $0x0  }
0x58: {  	s6 =	simm.s32 $0x5200;
	[sflag:s20] =	ssyncadd.s32 $0xFFFFE000  }
0x59: {  	[spmem:s3] =	stream.indirect.scatter.add.f32 [tilespmem:s25], [sflag:$0xA], $0x40, s6, s17, $0xb8;
	v63 =	vld [tilespmem:$0x0]  }
0x5a: {  	_ =	swait.ge [sflag:s24], $0x2000  }
0x5b: {  	[sflag:s24] =	ssyncset.done $0x0  }
0x5c: {  	s8 =	simm.s32 $0x280;
	[sflag:s24] =	ssyncadd.s32 $0xFFFFE000  }
0x5d: {  	[tilespmem:s18], [sflag:$0x1] =	stream.indirect.gather [hbm4b:s1+s17], $0x40, s8, s17, $0xb8;
	v63 =	vld [tilespmem:$0x0]  }
0x5e: {  	_ =	swait.ge [sflag:s29], $0x2000  }
0x5f: {  	[sflag:s29] =	ssyncset.done $0x0  }
0x60: {  	s6 =	simm.s32 $0x300;
	[sflag:s29] =	ssyncadd.s32 $0xFFFFE000  }
0x61: {  	[tilespmem:s19], [sflag:$0x2] =	stream.indirect.gather [hbm4b:s1+s17], $0x40, s6, s17, $0xb8;
	v63 =	vld [tilespmem:$0x0]  }
0x62: {  	_ =	swait.ge [sflag:s31], $0x2000  }
0x63: {  	[sflag:s31] =	ssyncset.done $0x0  }
0x64: {  	s8 =	simm.s32 $0x380;
	[sflag:s31] =	ssyncadd.s32 $0xFFFFE000  }
0x65: {  	[tilespmem:s21], [sflag:$0x3] =	stream.indirect.gather [hbm4b:s1+s17], $0x40, s8, s17, $0xb8;
	v63 =	vld [tilespmem:$0x0]  }
0x66: {  	_ =	swait.ge [sflag:s0], $0x2000  }
0x67: {  	[sflag:s0] =	ssyncset.done $0x0  }
0x68: {  	s6 =	simm.s32 $0x400;
	[sflag:s0] =	ssyncadd.s32 $0xFFFFE000  }
0x69: {  	[tilespmem:s23], [sflag:$0x4] =	stream.indirect.gather [hbm4b:s1+s17], $0x40, s6, s17, $0xb8;
	v63 =	vld [tilespmem:$0x0]  }
0x6a: {  	_ =	swait.ge [sflag:s22], $0x2000  }
0x6b: {  	[sflag:s22] =	ssyncset.done $0x0  }
0x6c: {  	s8 =	simm.s32 $0x480;
	[sflag:s22] =	ssyncadd.s32 $0xFFFFE000  }
0x6d: {  	[tilespmem:s25], [sflag:$0x5] =	stream.indirect.gather [hbm4b:s1+s17], $0x40, s8, s17, $0xb8;
	v63 =	vld [tilespmem:$0x0]  }
0x6e: {  	_ =	swait.ge [sflag:s26], $0x2000  }
0x6f: {  	[sflag:s26] =	ssyncset.done $0x0  }
0x70: {  	s6 =	simm.s32 $0x5280;
	[sflag:s26] =	ssyncadd.s32 $0xFFFFE000  }
0x71: {  	[spmem:s3] =	stream.indirect.scatter.add.f32 [tilespmem:s18], [sflag:$0x6], $0x40, s6, s17, $0xb8;
	v63 =	vld [tilespmem:$0x0]  }
0x72: {  	_ =	swait.ge [sflag:s28], $0x2000  }
0x73: {  	[sflag:s28] =	ssyncset.done $0x0  }
0x74: {  	s8 =	simm.s32 $0x5300;
	[sflag:s28] =	ssyncadd.s32 $0xFFFFE000  }
0x75: {  	[spmem:s3] =	stream.indirect.scatter.add.f32 [tilespmem:s19], [sflag:$0x7], $0x40, s8, s17, $0xb8;
	v63 =	vld [tilespmem:$0x0]  }
0x76: {  	_ =	swait.ge [sflag:s30], $0x2000  }
0x77: {  	[sflag:s30] =	ssyncset.done $0x0  }
0x78: {  	s6 =	simm.s32 $0x5380;
	[sflag:s30] =	ssyncadd.s32 $0xFFFFE000  }
0x79: {  	[spmem:s3] =	stream.indirect.scatter.add.f32 [tilespmem:s21], [sflag:$0x8], $0x40, s6, s17, $0xb8;
	v63 =	vld [tilespmem:$0x0]  }
0x7a: {  	_ =	swait.ge [sflag:s2], $0x2000  }
0x7b: {  	[sflag:s2] =	ssyncset.done $0x0  }
0x7c: {  	s8 =	simm.s32 $0x5400;
	[sflag:s2] =	ssyncadd.s32 $0xFFFFE000  }
0x7d: {  	[spmem:s3] =	stream.indirect.scatter.add.f32 [tilespmem:s23], [sflag:$0x9], $0x40, s8, s17, $0xb8;
	v63 =	vld [tilespmem:$0x0]  }
0x7e: {  	_ =	swait.ge [sflag:s20], $0x2000  }
0x7f: {  	[sflag:s20] =	ssyncset.done $0x0  }
0x80: {  	s5 =	simm.s32 $0xA00;
	s6 =	simm.s32 $0x5480;
	[sflag:s20] =	ssyncadd.s32 $0xFFFFE000  }
.LBB2_4:
0x81: {  	[spmem:s3] =	stream.indirect.scatter.add.f32 [tilespmem:s25], [sflag:$0xA], $0x40, s6, s17, $0xb8;
	v63 =	vld [tilespmem:$0x0]  }
0x82: {  	s6 =	smov.u32 s5  }
0x83: {  	p0 =	sne.s32 s5, $0x12C00;
	s5 =	sadd.s32 $0xA00, s5;
	_ =	swait.ge [sflag:s24], $0x2000  }
0x84: {  	s6 =	sshra.s32 s6, $0x2;
	[sflag:s24] =	ssyncset.done $0x0  }
0x85: {  	s8 =	sadd.s32 $0x280, s6;
	[sflag:s24] =	ssyncadd.s32 $0xFFFFE000  }
0x86: {  	[tilespmem:s18], [sflag:$0x1] =	stream.indirect.gather [hbm4b:s1+s17], $0x40, s8, s17, $0xb8;
	v63 =	vld [tilespmem:$0x0]  }
0x87: {  	_ =	swait.ge [sflag:s29], $0x2000  }
0x88: {  	[sflag:s29] =	ssyncset.done $0x0  }
0x89: {  	s8 =	sadd.s32 $0x300, s6;
	[sflag:s29] =	ssyncadd.s32 $0xFFFFE000  }
0x8a: {  	[tilespmem:s19], [sflag:$0x2] =	stream.indirect.gather [hbm4b:s1+s17], $0x40, s8, s17, $0xb8;
	v63 =	vld [tilespmem:$0x0]  }
0x8b: {  	_ =	swait.ge [sflag:s31], $0x2000  }
0x8c: {  	[sflag:s31] =	ssyncset.done $0x0  }
0x8d: {  	s8 =	sadd.s32 $0x380, s6;
	[sflag:s31] =	ssyncadd.s32 $0xFFFFE000  }
0x8e: {  	[tilespmem:s21], [sflag:$0x3] =	stream.indirect.gather [hbm4b:s1+s17], $0x40, s8, s17, $0xb8;
	v63 =	vld [tilespmem:$0x0]  }
0x8f: {  	_ =	swait.ge [sflag:s0], $0x2000  }
0x90: {  	[sflag:s0] =	ssyncset.done $0x0  }
0x91: {  	s8 =	sadd.s32 $0x400, s6;
	[sflag:s0] =	ssyncadd.s32 $0xFFFFE000  }
0x92: {  	[tilespmem:s23], [sflag:$0x4] =	stream.indirect.gather [hbm4b:s1+s17], $0x40, s8, s17, $0xb8;
	v63 =	vld [tilespmem:$0x0]  }
0x93: {  	_ =	swait.ge [sflag:s22], $0x2000  }
0x94: {  	[sflag:s22] =	ssyncset.done $0x0  }
0x95: {  	s8 =	sadd.s32 $0x480, s6;
	[sflag:s22] =	ssyncadd.s32 $0xFFFFE000  }
0x96: {  	[tilespmem:s25], [sflag:$0x5] =	stream.indirect.gather [hbm4b:s1+s17], $0x40, s8, s17, $0xb8;
	v63 =	vld [tilespmem:$0x0]  }
0x97: {  	_ =	swait.ge [sflag:s26], $0x2000  }
0x98: {  	[sflag:s26] =	ssyncset.done $0x0  }
0x99: {  	s8 =	sadd.s32 $0x5280, s6;
	[sflag:s26] =	ssyncadd.s32 $0xFFFFE000  }
0x9a: {  	[spmem:s3] =	stream.indirect.scatter.add.f32 [tilespmem:s18], [sflag:$0x6], $0x40, s8, s17, $0xb8;
	v63 =	vld [tilespmem:$0x0]  }
0x9b: {  	_ =	swait.ge [sflag:s28], $0x2000  }
0x9c: {  	[sflag:s28] =	ssyncset.done $0x0  }
0x9d: {  	s8 =	sadd.s32 $0x5300, s6;
	[sflag:s28] =	ssyncadd.s32 $0xFFFFE000  }
0x9e: {  	[spmem:s3] =	stream.indirect.scatter.add.f32 [tilespmem:s19], [sflag:$0x7], $0x40, s8, s17, $0xb8;
	v63 =	vld [tilespmem:$0x0]  }
0x9f: {  	_ =	swait.ge [sflag:s30], $0x2000  }
0xa0: {  	[sflag:s30] =	ssyncset.done $0x0  }
0xa1: {  	s8 =	sadd.s32 $0x5380, s6;
	[sflag:s30] =	ssyncadd.s32 $0xFFFFE000  }
0xa2: {  	[spmem:s3] =	stream.indirect.scatter.add.f32 [tilespmem:s21], [sflag:$0x8], $0x40, s8, s17, $0xb8;
	v63 =	vld [tilespmem:$0x0]  }
0xa3: {  	_ =	swait.ge [sflag:s2], $0x2000  }
0xa4: {  	[sflag:s2] =	ssyncset.done $0x0  }
.Ltmp1:
0xa5: {  	s8 =	sadd.s32 $0x5400, s6;
	[sflag:s2] =	ssyncadd.s32 $0xFFFFE000;
	(pc) =	sbr.rel @p0 .LBB2_4-.Ltmp1, $4  }
0xa6: {  	[spmem:s3] =	stream.indirect.scatter.add.f32 [tilespmem:s23], [sflag:$0x9], $0x40, s8, s17, $0xb8;
	v63 =	vld [tilespmem:$0x0]  }
0xa7: {  	_ =	swait.ge [sflag:s20], $0x2000  }
0xa8: {  	[sflag:s20] =	ssyncset.done $0x0  }
0xa9: {  	s6 =	sadd.s32 $0x5480, s6;
	[sflag:s20] =	ssyncadd.s32 $0xFFFFE000  }
0xaa: {  	[spmem:s3] =	stream.indirect.scatter.add.f32 [tilespmem:s25], [sflag:$0xA], $0x40, s6, s17, $0xb8;
	v63 =	vld [tilespmem:$0x0]  }
0xab: {  	_ =	swait.ge [sflag:s24], $0x2000  }
0xac: {  	[sflag:s24] =	ssyncset.done $0x0  }
0xad: {  	[sflag:s24] =	ssyncadd.s32 $0xFFFFE000  }
0xae: {  	_ =	swait.ge [sflag:s29], $0x2000  }
0xaf: {  	[sflag:s29] =	ssyncset.done $0x0  }
0xb0: {  	[sflag:s29] =	ssyncadd.s32 $0xFFFFE000  }
0xb1: {  	_ =	swait.ge [sflag:s31], $0x2000  }
0xb2: {  	[sflag:s31] =	ssyncset.done $0x0  }
0xb3: {  	[sflag:s31] =	ssyncadd.s32 $0xFFFFE000  }
0xb4: {  	_ =	swait.ge [sflag:s0], $0x2000  }
0xb5: {  	[sflag:s0] =	ssyncset.done $0x0  }
0xb6: {  	[sflag:s0] =	ssyncadd.s32 $0xFFFFE000  }
0xb7: {  	_ =	swait.ge [sflag:s22], $0x2000  }
0xb8: {  	[sflag:s22] =	ssyncset.done $0x0  }
0xb9: {  	s5 =	stileid.u32;
	[sflag:s22] =	ssyncadd.s32 $0xFFFFE000  }
0xba: {  	s5 =	sshll.u32 s5, $0x6;
	[bflag:$0x0] =	sbarrier.arrive $0xFFFF  }
0xbb: {  	s6 =	sshrl.u32 s7, $0x3;
	s5 =	sor.u32 $0x1C0B, s5;
	s8 =	rddreg [dreg:$0x6]  }
0xbc: {  	[hbm:s8@s9], [sflag:s5] =	dma.strided [spmem:s6@s31], $0x1400, s26, $0x8   }
0xbd: {  	_ =	swait.ge [sflag:s14], $0x1400  }
0xbe: {  	s4 =	sadd.s32 $0x1, s4;
	s8 =	rddreg [dreg:$0x7]  }
0xbf: {  	p0 =	sne.s32 s4, s8  }
.Ltmp2:
0xc0: {  	_ = 	snop;
	(pc) =	sbr.rel @p0 .LBB2_1-.Ltmp2, $3  }
0xc1: {  	_ =	sdelay $0x1  }
0xc2: {  	[sflag:s14] =	ssyncset.done $0x0  }
0xc3: {  	[sflag:s14] =	ssyncadd.s32 $0xFFFFEC00  }
0xc4: {  	_ =	sfence.sel $0x180000  }
0xc5: {  	[bflag:$0x0] =	sbarrier.arrive $0xFFFF  }
0xc6: {  	_ =	strace $0x9000004A  }
0xc7: {  	s0 =	stileid.u32;
	[bflag:$0x2] =	sbarrier.arrive $0xFFFF  }
0xc8: {  	p0 =	sne.s32 s0, $0x0;
	s0 =	rddreg [dreg:$0x3]  }
0xc9: {  	s0 =	sadd.s32 @!p0 $0x100000, s0  }
0xca: {  	[sflag:s0] =	ssyncadd.tile.s32 @!p0 $0x1;
	_ =	shalt  }
.Lfunc_end2:
_tile_overlayer_lowered:
.L_overlay_start_2:
0xcb: {  	(tag) =	ssettag $0x2  }
0xcc: {  	s0 =	rddreg [dreg:$0x0];
	s2 =	stileid.u32  }
0xcd: {  	s1 =	rddreg [dreg:$0x1];
	p0 =	sne.s32 s2, $0x0  }
0xce: {  	s3 =	rddreg [dreg:$0x2];
	[bflag:$0x3] =	sbarrier.arrive $0xFFFF;
	s2 =	simm.s32 @!p0 $0x1C0B  }
0xcf: {  	[timem:s3], [sflag:s2] =	dma.local @!p0 [hbm:s0], s1  }
0xd0: {  	s0 =	simm.s32 @!p0 $0xB  }
0xd1: {  	_ =	swait.ge @!p0 [sflag:s0], s1  }
0xd2: {  	s1 =	ssub.s32 @!p0 $0x0, s1;
	[sflag:s0] =	ssyncset.done @!p0 $0x0  }
0xd3: {  	[sflag:s0] =	ssyncadd.s32 @!p0 s1  }
0xd4: {  	[bflag:$0x3] =	sbarrier.arrive $0xFFFF  }
0xd5: {  	_ =	shalt  }

// kernel: kernel.7.cloned.1.call-start
scs
__scs_entry_jumppad:
0x0: {  	(pc) =	sbr.rel $0x88, $3  }
0x1: {  	(tag) =	ssettag $0x0;
	lr =	simm.s32 $0x1  }
0x2: {  	[smem:$0x3F9D] =	sst lr;
	_ =	strace $0xD0000000  }
0x3: {  	_ = 	snop  }
0x4: {  	_ = 	snop  }
0x5: {  	_ = 	snop  }
0x6: {  	_ = 	snop  }
0x7: {  	_ = 	snop  }
__scs_overlays_trampoline_lowered:
0x8: {  	[smem:$0x3FAC] =	sst s0  }
0x9: {  	[smem:$0x3FAD] =	sst s1  }
0xa: {  	[smem:$0x3FAE] =	sst s2  }
0xb: {  	[smem:$0x3FAF] =	sst s3  }
0xc: {  	[smem:$0x3FB0] =	sst s4  }
0xd: {  	[smem:$0x3FB1] =	sst s5  }
0xe: {  	[smem:$0x3FB2] =	sst s6  }
0xf: {  	[smem:$0x3FB3] =	sst s7  }
0x10: {  	[smem:$0x3FB4] =	sst s8  }
0x11: {  	[smem:$0x3FB5] =	sst s9;
	s0 =	simm.s32 @!p0 $0x0  }
0x12: {  	s1 =	sld [smem:$0x3F9B];
	s0 =	simm.s32 @p0 $0x1  }
0x13: {  	[smem:$0x3FB6] =	sst s0;
	s0 =	simm.s32 @!p1 $0x0  }
0x14: {  	s2 =	sld [smem:$0x3F9A];
	s0 =	simm.s32 @p1 $0x1  }
0x15: {  	[smem:$0x3FB7] =	sst s0;
	s0 =	simm.s32 @!p2 $0x0  }
0x16: {  	s3 =	sld [smem:$0x3FDB];
	s0 =	simm.s32 @p2 $0x1  }
0x17: {  	s4 =	simm.s32 $0x1BF5;
	[smem:$0x3FB9] =	sst s0  }
0x18: {  	s0 =	sld [smem:$0x3F9C];
	_ =	swait.ge [sflag:s4], $0x0  }
0x19: {  	s7 =	sld [smem:$0x3F9D]  }
0x1a: {  	s8 =	sadd.s32 $0xFFFFE003, lr  }
0x1b: {  	s9 =	sadd.s32 $0xFFFFFEF7, lr;
	s5 =	simm.s32 $0xFFFFFFFF;
	p2 =	slt.u32 s8, $0xFFFFF086  }
0x1c: {  	p1 =	slt.u32 s9, $0xF7A;
	s5 =	simm.s32 @!p2 $0x0  }
0x1d: {  	s5 =	simm.s32 @p1 $0x1;
	p0 =	seq.s32 s7, s2  }
0x1e: {  	s7 =	smul.u32 @!p0 $0xF7A, s2;
	p2 =	seq.s32 @!p0 s5, $0x0  }
0x1f: {  	s9 =	smul.u32 $0xF7A, s1;
	s8 =	simm.s32 @!p0 $0x1BF5;
	p2 =	por !p2, p0  }
0x20: {  	[sflag:s8] =	ssyncset.s32 @!p0 $0xFFFFF086;
	s6 =	sadd.s32 @!p0 s3, s7;
	s7 =	simm.s32 @!p0 $0x108  }
0x21: {  	s3 =	sadd.s32 s3, s9;
	s6 =	sadd.s32 @!p0 $0x88, s6;
	s7 =	simm.s32 @p2 $0x1082  }
0x22: {  	[simem:s7], [sflag:s8] =	dma.local @!p0 [hbm:s6], $0xF7A  }
0x23: {  	s9 =	sor.u32 $0xD0000000, s2;
	s6 =	simm.s32 $0x108;
	_ =	swait.ge @!p0 [sflag:s8], $0x0  }
0x24: {  	s3 =	sadd.s32 $0x88, s3;
	s6 =	simm.s32 @!p1 $0x1082;
	[sflag:s4] =	ssyncset.s32 $0xFFFFF086  }
0x25: {  	[simem:s6], [sflag:s4] =	dma.local [hbm:s3], $0xF7A  }
0x26: {  	[smem:$0x3F9D] =	sst s1;
	(tag) =	ssettag s2;
	_ =	strace s9  }
0x27: {  	s1 =	sld [smem:$0x3FAD]  }
0x28: {  	s2 =	sld [smem:$0x3FAE]  }
0x29: {  	s4 =	sld [smem:$0x3FB0]  }
0x2a: {  	p0 =	seq.s32 s5, $0x0;
	s5 =	sld [smem:$0x3FB1]  }
0x2b: {  	s6 =	sld [smem:$0x3FB2]  }
0x2c: {  	s7 =	sld [smem:$0x3FB3]  }
0x2d: {  	s3 =	simm.s32 $0x108;
	s8 =	sld [smem:$0x3FB4]  }
0x2e: {  	s3 =	simm.s32 @!p0 $0x1082;
	s9 =	sld [smem:$0x3FB5]  }
0x2f: {  	lr =	sadd.s32 s0, s3;
	s0 =	sld [smem:$0x3FAC]  }
0x30: {  	s3 =	sld [smem:$0x3FAF]  }
0x31: {  	[smem:$0x3FB8] =	sst s10  }
0x32: {  	s10 =	sld [smem:$0x3FB6];
	_ =	sdelay $0x3  }
0x33: {  	p0 =	seq.s32 s10, $0x1;
	s10 =	sld [smem:$0x3FB8];
	_ =	sdelay $0x3  }
0x34: {  	[smem:$0x3FB8] =	sst s10  }
0x35: {  	s10 =	sld [smem:$0x3FB7];
	_ =	sdelay $0x3  }
0x36: {  	p1 =	seq.s32 s10, $0x1;
	s10 =	sld [smem:$0x3FB8];
	_ =	sdelay $0x3  }
0x37: {  	[smem:$0x3FB8] =	sst s10  }
0x38: {  	s10 =	sld [smem:$0x3FB9]  }
0x39: {  	_ = 	snop;
	(pc) =	sbr.ind lr, $3  }
0x3a: {  	_ = 	snop  }
0x3b: {  	_ = 	snop  }
0x3c: {  	p2 =	seq.s32 s10, $0x1;
	s10 =	sld [smem:$0x3FB8]  }
0x3d: {  	_ =	shalt  }
0x3e: {  	_ =	shalt  }
0x3f: {  	_ =	shalt  }
0x40: {  	_ =	shalt  }
0x41: {  	_ =	shalt  }
0x42: {  	_ =	shalt  }
0x43: {  	_ =	shalt  }
0x44: {  	_ =	shalt  }
0x45: {  	_ =	shalt  }
0x46: {  	_ =	shalt  }
0x47: {  	_ =	shalt  }
0x48: {  	_ =	shalt  }
0x49: {  	_ =	shalt  }
0x4a: {  	_ =	shalt  }
0x4b: {  	_ =	shalt  }
0x4c: {  	_ =	shalt  }
0x4d: {  	_ =	shalt  }
0x4e: {  	_ =	shalt  }
0x4f: {  	_ =	shalt  }
0x50: {  	_ =	shalt  }
0x51: {  	_ =	shalt  }
0x52: {  	_ =	shalt  }
0x53: {  	_ =	shalt  }
0x54: {  	_ =	shalt  }
0x55: {  	_ =	shalt  }
0x56: {  	_ =	shalt  }
0x57: {  	_ =	shalt  }
0x58: {  	_ =	shalt  }
0x59: {  	_ =	shalt  }
0x5a: {  	_ =	shalt  }
0x5b: {  	_ =	shalt  }
0x5c: {  	_ =	shalt  }
0x5d: {  	_ =	shalt  }
0x5e: {  	_ =	shalt  }
0x5f: {  	_ =	shalt  }
0x60: {  	_ =	shalt  }
0x61: {  	_ =	shalt  }
0x62: {  	_ =	shalt  }
0x63: {  	_ =	shalt  }
0x64: {  	_ =	shalt  }
0x65: {  	_ =	shalt  }
0x66: {  	_ =	shalt  }
0x67: {  	_ =	shalt  }
0x68: {  	_ =	shalt  }
0x69: {  	_ =	shalt  }
0x6a: {  	_ =	shalt  }
0x6b: {  	_ =	shalt  }
0x6c: {  	_ =	shalt  }
0x6d: {  	_ =	shalt  }
0x6e: {  	_ =	shalt  }
0x6f: {  	_ =	shalt  }
0x70: {  	_ =	shalt  }
0x71: {  	_ =	shalt  }
0x72: {  	_ =	shalt  }
0x73: {  	_ =	shalt  }
0x74: {  	_ =	shalt  }
0x75: {  	_ =	shalt  }
0x76: {  	_ =	shalt  }
0x77: {  	_ =	shalt  }
0x78: {  	_ =	shalt  }
0x79: {  	_ =	shalt  }
0x7a: {  	_ =	shalt  }
0x7b: {  	_ =	shalt  }
0x7c: {  	_ =	shalt  }
0x7d: {  	_ =	shalt  }
0x7e: {  	_ =	shalt  }
0x7f: {  	_ =	shalt  }
0x80: {  	_ =	shalt  }
0x81: {  	_ =	shalt  }
0x82: {  	_ =	shalt  }
0x83: {  	_ =	shalt  }
0x84: {  	_ =	shalt  }
0x85: {  	_ =	shalt  }
0x86: {  	_ =	shalt  }
0x87: {  	_ =	shalt  }
.Lfunc_end0:
.L_simem_size_0:
called_computation_lowered:
.L_overlay_start_0:
0x88: {  	s2 =	sld [smem:$0x3FD9]  }
0x89: {  	s3 =	sld [smem:$0x3FFE];
	_ =	sdelay $0x1  }
0x8a: {  	s1 =	srdreg.scid  }
0x8b: {  	s0 =	sand.u32 $0x1, s1  }
0x8c: {  	s16 =	sshll.u32 s0, $0xA;
	s2 =	sadd.s32 s3, s2  }
0x8d: {  	s2 =	sadd.s32 s2, s16  }
0x8e: {  	[smem:$0x3FC4] =	sst s2  }
0x8f: {  	_ = 	snop  }
0x90: {  	(tm) =	ssettm $0x1  }
0x91: {  	s17 =	sld [smem:$0x3FFB];
	_ =	sdelay $0x3  }
0x92: {  	_ =	strace s17  }
0x93: {  	s2 =	sld [smem:$0x3FFC];
	_ =	sdelay $0x3  }
0x94: {  	_ =	strace s2  }
0x95: {  	s2 =	sld [smem:$0x3FFD];
	_ =	sdelay $0x3  }
0x96: {  	_ =	strace s2  }
0x97: {  	_ =	strace $0x8FFFFFFF  }
0x98: {  	s18 =	sld [smem:$0x3FDB];
	_ =	sdelay $0x1  }
0x99: {  	s19 =	simm.s32 $_scs_section_size  }
0x9a: {  	s4 =	simm.s32 $_size__tile_overlayer_lowered;
	s5 =	simm.s32 $_tile_overlayer_lowered  }
0x9b: {  	s22 =	simm.s32 $0x1BFF;
	s21 =	sshll.u32 s5, $0x1;
	s2 =	sadd.s32 s19, s18  }
0x9c: {  	s6 =	simm.s32 $0x0;
	s20 =	sshll.u32 s4, $0x1;
	s4 =	sadd.s32 s21, s2  }
0x9d: {  	[timem:s6], [sflag:s22] =	dma.local [hbm:s4], s20  }
0x9e: {  	_ =	swait.ge [sflag:s22], s20  }
0x9f: {  	s3 =	ssub.s32 $0x0, s20;
	[sflag:s22] =	ssyncset.done $0x0  }
0xa0: {  	[sflag:s22] =	ssyncadd.s32 s3;
	_ =	sdelay $0x1  }
0xa1: {  	s23 =	simm.s32 $0x1B8B  }
0xa2: {  	_ =	swait.ge [sflag:s23], $0x1  }
0xa3: {  	[sflag:s23] =	ssyncset.done $0x0  }
0xa4: {  	s25 =	simm.s32 $0x1B8E;
	s24 =	sld [smem:$0x3FFE];
	[sflag:s23] =	ssyncadd.s32 $0xFFFFFFFF  }
0xa5: {  	s26 =	simm.s32 $execute0_lowered;
	[smem:$0x3FD2] =	sst s25  }
0xa6: {  	s4 =	sshll.u32 s26, $0x1;
	_ =	strace $0x80000046;
	[dreg:$0x1] =	wrdreg $0xFFFFFFFF  }
0xa7: {  	s28 =	simm.s32 $_size_execute0_lowered;
	s2 =	sadd.s32 s2, s4;
	[dreg:$0x0] =	wrdreg $0x0  }
0xa8: {  	s4 =	sshll.u32 s28, $0x1;
	[dreg:$0x2] =	wrdreg s2  }
0xa9: {  	[dreg:$0x3] =	wrdreg s4  }
0xaa: {  	[dreg:$0x4] =	wrdreg $0xC0  }
0xab: {  	_ =	task [dreg:s6], $0x5FFFF  }
0xac: {  	[dreg:$0x1] =	wrdreg $0xFFFFFFFF  }
0xad: {  	[dreg:$0x0] =	wrdreg $0x60  }
0xae: {  	[dreg:$0x2] =	wrdreg s24  }
0xaf: {  	[dreg:$0x3] =	wrdreg $0x38000  }
0xb0: {  	[dreg:$0x4] =	wrdreg $0x9  }
0xb1: {  	_ =	task.clear_ibuf [dreg:s6], $0x5FFFF;
	_ =	strace $0x90000046  }
0xb2: {  	s29 =	simm.s32 $0x9;
	_ =	strace $0x80000048  }
0xb3: {  	_ =	swait.ge [sflag:s29], $0x1  }
0xb4: {  	[sflag:s29] =	ssyncadd.s32 $0xFFFFFFFF  }
0xb5: {  	_ =	strace $0x90000048  }
0xb6: {  	_ =	sfence  }
0xb7: {  	s30 =	sld [smem:$0x0];
	_ =	sdelay $0x2  }
0xb8: {  	s31 =	sshll.u32 s1, $0xD;
	s1 =	sshrl.u32 s1, $0x2  }
0xb9: {  	s3 =	sand.u32 $0x4000, s31;
	s1 =	sadd.s32 s1, s30  }
0xba: {  	s0 =	sor.u32 s3, s0;
	s1 =	sshll.u32 s1, $0x11  }
0xbb: {  	s0 =	sor.u32 s1, s0  }
0xbc: {  	s0 =	sadd.s32 $0x8F2B, s0  }
0xbd: {  	[sflag:s0] =	ssyncadd.remote.s32 $0x1  }
0xbe: {  	_ =	sfence.sel $0xFFFF  }
0xbf: {  	[dreg:$0x0] =	wrdreg $0xFFFFFFFF;
	(pc) =	sbr.abs _section_cstart, $3  }
0xc0: {  	[dreg:$0x1] =	wrdreg $0xFFFFFFFF  }
0xc1: {  	_ =	task.clear_ibuf [dreg:s6], $0x2FFFF;
	_ =	strace $0x9FFFFFFF  }
0xc2: {  	(tm) =	ssettm $0x7FFFFFFF  }
0xc3: {  	_ =	shalt  }
tec
execute0_lowered:
.L_overlay_start_1:
0x0: {  	(tag) =	ssettag $0x1  }
0x1: {  	s0 =	srdreg.scid;
	s1 =	rddreg [dreg:$0x0]  }
0x2: {  	s7 =	stileid.u32;
	s2 =	rddreg [dreg:$0x1]  }
0x3: {  	s3 =	simm.s32 $0x0;
	s12 =	simm.s32 $0x3000;
	s13 =	simm.s32 $0x9  }
0x4: {  	s14 =	simm.s32 $0x80;
	s15 =	simm.s32 $0x2800;
	s17 =	simm.s32 $0x180  }
0x5: {  	s18 =	simm.s32 $0x200;
	s19 =	simm.s32 $0x280;
	s4 =	smul.u32 $0x5000, s7  }
0x6: {  	s20 =	simm.s32 $0x300;
	s28 =	simm.s32 $0x6;
	s21 =	smul.u32 $0x14000, s7  }
0x7: {  	s29 =	simm.s32 $0x7;
	s0 =	sand.u32 $0x1, s0;
	s22 =	smul.u32 $0xA000, s7  }
0x8: {  	s30 =	simm.s32 $0x8;
	s31 =	simm.s32 $0x10;
	s5 =	smul.u32 $0x2800, s0  }
0x9: {  	[smem:$0x7FF] =	sst s3;
	s6 =	smul.u32 $0x140000, s0;
	s0 =	ssub.s32 $0x2, s0  }
0xa: {  	_ =	strace $0x80000047;
	s25 =	sshrl.u32 s0, $0x1;
	s26 =	sshrl.u32 s22, $0x2  }
0xb: {  	s22 =	simm.s32 $0x1;
	s4 =	sadd.s32 s5, s4;
	s5 =	sadd.s32 s21, s6  }
0xc: {  	s0 =	ssub.s32 s0, s25;
	s21 =	simm.s32 $0x380;
	s25 =	simm.s32 $0x4  }
0xd: {  	s4 =	sshrl.u32 s4, $0x3;
	s24 =	sshrl.u32 s5, $0x3;
	s7 =	smax.u32 s0, $0x1  }
0xe: {  	s23 =	sadd.s32 s4, s1;
	s1 =	sadd.s32 s24, s1;
	s4 =	sadd.s32 s26, s2  }
0xf: {  	s24 =	simm.s32 $0x3;
	s26 =	simm.s32 $0x5;
	s5 =	sadd.s32 $0x1A00, s23  }
0x10: {  	s6 =	sadd.s32 $0xBA00, s1;
	s8 =	sadd.s32 $0x800, s4;
	s9 =	sadd.s32 $0x1000, s4  }
0x11: {  	v0 =	vimm.f32 $1.000000000e+00;
	v1 =	vimm.f32 $0.0e+00;
	s10 =	sadd.s32 $0x1800, s4;
	s11 =	sadd.s32 $0x2000, s4;
	s23 =	simm.s32 $0x2  }
.LBB2_1:
0x12: {  	s0 =	simm.s32 $0x0  }
.LBB2_2:
0x13: {  	p0 =	sne.s32 s0, $0x1FC0  }
.Ltmp0:
0x14: {  	_ = 	snop;
	(pc) =	sbr.rel @p0 .LBB2_2-.Ltmp0, $3  }
0x15: {  	_ =	sdelay $0x1  }
0x16: {  	s1 =	sshra.s32 s0, $0x2  }
0x17: {  	s0 =	sadd.s32 $0x40, s0;
	[tilespmem:s1+$0x2800] =	vst v0  }
0x18: {  	s0 =	simm.s32 $0x40;
	s1 =	simm.s32 $0x0  }
.LBB2_4:
0x19: {  	p0 =	sne.s32 s0, $0x1FC0;
	[tilespmem:s1+$0x3000] =	vst v1;
	s1 =	smov.u32 s0;
	s0 =	sadd.s32 $0x40, s0  }
.Ltmp1:
0x1a: {  	(pc) =	sbr.rel @p0 .LBB2_4-.Ltmp1, $2  }
0x1b: {  	_ =	sdelay $0x2  }
0x1c: {  	s1 =	sshra.s32 s1, $0x2  }
0x1d: {  	[tilespmem:s1+$0x3000] =	vst v1  }
0x1e: {  	[spmem:s4] =	stream.linear.scatter [tilespmem:s12], [sflag:$0x9], $0x800, $0x38;
	[tilespmem:$0x6000] =	vst v63  }
0x1f: {  	_ =	swait.ge [sflag:s13], $0x800  }
0x20: {  	[sflag:s13] =	ssyncset.done $0x0  }
0x21: {  	[sflag:s13] =	ssyncadd.s32 $0xFFFFF800  }
0x22: {  	[spmem:s8] =	stream.linear.scatter [tilespmem:s12], [sflag:$0x9], $0x800, $0x38;
	[tilespmem:$0x6000] =	vst v63  }
0x23: {  	_ =	swait.ge [sflag:s13], $0x800  }
0x24: {  	[sflag:s13] =	ssyncset.done $0x0  }
0x25: {  	[sflag:s13] =	ssyncadd.s32 $0xFFFFF800  }
0x26: {  	[spmem:s9] =	stream.linear.scatter [tilespmem:s12], [sflag:$0x9], $0x800, $0x38;
	[tilespmem:$0x6000] =	vst v63  }
0x27: {  	_ =	swait.ge [sflag:s13], $0x800  }
0x28: {  	[sflag:s13] =	ssyncset.done $0x0  }
0x29: {  	[sflag:s13] =	ssyncadd.s32 $0xFFFFF800  }
0x2a: {  	[spmem:s10] =	stream.linear.scatter [tilespmem:s12], [sflag:$0x9], $0x800, $0x38;
	[tilespmem:$0x6000] =	vst v63  }
0x2b: {  	_ =	swait.ge [sflag:s13], $0x800  }
0x2c: {  	[sflag:s13] =	ssyncset.done $0x0  }
0x2d: {  	[sflag:s13] =	ssyncadd.s32 $0xFFFFF800  }
0x2e: {  	[spmem:s11] =	stream.linear.scatter [tilespmem:s12], [sflag:$0x9], $0x800, $0x38;
	[tilespmem:$0x6000] =	vst v63  }
0x2f: {  	_ =	swait.ge [sflag:s13], $0x800  }
0x30: {  	[sflag:s13] =	ssyncset.done $0x0  }
0x31: {  	[sflag:s13] =	ssyncadd.s32 $0xFFFFF800  }
0x32: {  	s0 =	simm.s32 $0x0;
	[bflag:$0x0] =	sbarrier.arrive $0xFFFF  }
0x33: {  	[tilespmem:s0], [sflag:$0x9] =	stream.linear.gather [hbm4b:s5+s0], $0x2800, $0x38;
	[tilespmem:$0x6000] =	vst v63  }
0x34: {  	_ =	swait.ge [sflag:s13], $0x2800  }
0x35: {  	[sflag:s13] =	ssyncset.done $0x0  }
0x36: {  	[sflag:s13] =	ssyncadd.s32 $0xFFFFD800  }
0x37: {  	[spmem:s2] =	stream.indirect.scatter.add.f32 [tilespmem:s15], [sflag:$0x1], $0x10, s0, s14, $0xb8;
	[tilespmem:$0x6000] =	vst v63  }
0x38: {  	_ = 	snop  }
0x39: {  	[spmem:s2] =	stream.indirect.scatter.add.f32 [tilespmem:s15], [sflag:$0x2], $0x10, s14, s14, $0xb8;
	[tilespmem:$0x6000] =	vst v63  }
0x3a: {  	s1 =	simm.s32 $0x100  }
0x3b: {  	[spmem:s2] =	stream.indirect.scatter.add.f32 [tilespmem:s15], [sflag:$0x3], $0x10, s1, s14, $0xb8;
	[tilespmem:$0x6000] =	vst v63  }
0x3c: {  	_ = 	snop  }
0x3d: {  	[spmem:s2] =	stream.indirect.scatter.add.f32 [tilespmem:s15], [sflag:$0x4], $0x10, s17, s14, $0xb8;
	[tilespmem:$0x6000] =	vst v63  }
0x3e: {  	_ = 	snop  }
0x3f: {  	[spmem:s2] =	stream.indirect.scatter.add.f32 [tilespmem:s15], [sflag:$0x5], $0x10, s18, s14, $0xb8;
	[tilespmem:$0x6000] =	vst v63  }
0x40: {  	_ = 	snop  }
0x41: {  	[spmem:s2] =	stream.indirect.scatter.add.f32 [tilespmem:s15], [sflag:$0x6], $0x10, s19, s14, $0xb8;
	[tilespmem:$0x6000] =	vst v63  }
0x42: {  	_ = 	snop  }
0x43: {  	[spmem:s2] =	stream.indirect.scatter.add.f32 [tilespmem:s15], [sflag:$0x7], $0x10, s20, s14, $0xb8;
	[tilespmem:$0x6000] =	vst v63  }
0x44: {  	_ = 	snop  }
0x45: {  	[spmem:s2] =	stream.indirect.scatter.add.f32 [tilespmem:s15], [sflag:$0x8], $0x10, s21, s14, $0xb8;
	[tilespmem:$0x6000] =	vst v63  }
0x46: {  	_ =	swait.ge [sflag:s22], $0x800  }
0x47: {  	[sflag:s22] =	ssyncset.done $0x0  }
0x48: {  	s16 =	simm.s32 $0x400;
	[sflag:s22] =	ssyncadd.s32 $0xFFFFF800  }
0x49: {  	[spmem:s2] =	stream.indirect.scatter.add.f32 [tilespmem:s15], [sflag:$0x1], $0x10, s16, s14, $0xb8;
	[tilespmem:$0x6000] =	vst v63  }
0x4a: {  	_ =	swait.ge [sflag:s23], $0x800  }
0x4b: {  	[sflag:s23] =	ssyncset.done $0x0  }
0x4c: {  	s1 =	simm.s32 $0x480;
	[sflag:s23] =	ssyncadd.s32 $0xFFFFF800  }
0x4d: {  	[spmem:s2] =	stream.indirect.scatter.add.f32 [tilespmem:s15], [sflag:$0x2], $0x10, s1, s14, $0xb8;
	[tilespmem:$0x6000] =	vst v63  }
0x4e: {  	_ =	swait.ge [sflag:s24], $0x800  }
0x4f: {  	[sflag:s24] =	ssyncset.done $0x0  }
0x50: {  	s16 =	simm.s32 $0x500;
	[sflag:s24] =	ssyncadd.s32 $0xFFFFF800  }
0x51: {  	[spmem:s2] =	stream.indirect.scatter.add.f32 [tilespmem:s15], [sflag:$0x3], $0x10, s16, s14, $0xb8;
	[tilespmem:$0x6000] =	vst v63  }
0x52: {  	_ =	swait.ge [sflag:s25], $0x800  }
0x53: {  	[sflag:s25] =	ssyncset.done $0x0  }
0x54: {  	s1 =	simm.s32 $0x580;
	[sflag:s25] =	ssyncadd.s32 $0xFFFFF800  }
0x55: {  	[spmem:s2] =	stream.indirect.scatter.add.f32 [tilespmem:s15], [sflag:$0x4], $0x10, s1, s14, $0xb8;
	[tilespmem:$0x6000] =	vst v63  }
0x56: {  	_ =	swait.ge [sflag:s26], $0x800  }
0x57: {  	[sflag:s26] =	ssyncset.done $0x0  }
0x58: {  	s16 =	simm.s32 $0x600;
	[sflag:s26] =	ssyncadd.s32 $0xFFFFF800  }
0x59: {  	[spmem:s2] =	stream.indirect.scatter.add.f32 [tilespmem:s15], [sflag:$0x5], $0x10, s16, s14, $0xb8;
	[tilespmem:$0x6000] =	vst v63  }
0x5a: {  	_ =	swait.ge [sflag:s28], $0x800  }
0x5b: {  	[sflag:s28] =	ssyncset.done $0x0  }
0x5c: {  	s1 =	simm.s32 $0x680;
	[sflag:s28] =	ssyncadd.s32 $0xFFFFF800  }
0x5d: {  	[spmem:s2] =	stream.indirect.scatter.add.f32 [tilespmem:s15], [sflag:$0x6], $0x10, s1, s14, $0xb8;
	[tilespmem:$0x6000] =	vst v63  }
0x5e: {  	_ =	swait.ge [sflag:s29], $0x800  }
0x5f: {  	[sflag:s29] =	ssyncset.done $0x0  }
0x60: {  	s16 =	simm.s32 $0x700;
	[sflag:s29] =	ssyncadd.s32 $0xFFFFF800  }
0x61: {  	[spmem:s2] =	stream.indirect.scatter.add.f32 [tilespmem:s15], [sflag:$0x7], $0x10, s16, s14, $0xb8;
	[tilespmem:$0x6000] =	vst v63  }
0x62: {  	_ =	swait.ge [sflag:s30], $0x800  }
0x63: {  	[sflag:s30] =	ssyncset.done $0x0  }
0x64: {  	s0 =	simm.s32 $0x780;
	s1 =	simm.s32 $0x1000;
	[sflag:s30] =	ssyncadd.s32 $0xFFFFF800  }
.LBB2_6:
0x65: {  	[spmem:s2] =	stream.indirect.scatter.add.f32 [tilespmem:s15], [sflag:$0x8], $0x10, s0, s14, $0xb8;
	[tilespmem:$0x6000] =	vst v63  }
0x66: {  	s0 =	smov.u32 s1  }
0x67: {  	p0 =	sne.s32 s1, $0x8000;
	s1 =	sadd.s32 $0x1000, s1;
	_ =	swait.ge [sflag:s22], $0x800  }
0x68: {  	s0 =	sshra.s32 s0, $0x2;
	[sflag:s22] =	ssyncset.done $0x0  }
0x69: {  	s16 =	sadd.s32 $0x400, s0;
	[sflag:s22] =	ssyncadd.s32 $0xFFFFF800  }
0x6a: {  	[spmem:s2] =	stream.indirect.scatter.add.f32 [tilespmem:s15], [sflag:$0x1], $0x10, s16, s14, $0xb8;
	[tilespmem:$0x6000] =	vst v63  }
0x6b: {  	_ =	swait.ge [sflag:s23], $0x800  }
0x6c: {  	[sflag:s23] =	ssyncset.done $0x0  }
0x6d: {  	s16 =	sadd.s32 $0x480, s0;
	[sflag:s23] =	ssyncadd.s32 $0xFFFFF800  }
0x6e: {  	[spmem:s2] =	stream.indirect.scatter.add.f32 [tilespmem:s15], [sflag:$0x2], $0x10, s16, s14, $0xb8;
	[tilespmem:$0x6000] =	vst v63  }
0x6f: {  	_ =	swait.ge [sflag:s24], $0x800  }
0x70: {  	[sflag:s24] =	ssyncset.done $0x0  }
0x71: {  	s16 =	sadd.s32 $0x500, s0;
	[sflag:s24] =	ssyncadd.s32 $0xFFFFF800  }
0x72: {  	[spmem:s2] =	stream.indirect.scatter.add.f32 [tilespmem:s15], [sflag:$0x3], $0x10, s16, s14, $0xb8;
	[tilespmem:$0x6000] =	vst v63  }
0x73: {  	_ =	swait.ge [sflag:s25], $0x800  }
0x74: {  	[sflag:s25] =	ssyncset.done $0x0  }
0x75: {  	s16 =	sadd.s32 $0x580, s0;
	[sflag:s25] =	ssyncadd.s32 $0xFFFFF800  }
0x76: {  	[spmem:s2] =	stream.indirect.scatter.add.f32 [tilespmem:s15], [sflag:$0x4], $0x10, s16, s14, $0xb8;
	[tilespmem:$0x6000] =	vst v63  }
0x77: {  	_ =	swait.ge [sflag:s26], $0x800  }
0x78: {  	[sflag:s26] =	ssyncset.done $0x0  }
0x79: {  	s16 =	sadd.s32 $0x600, s0;
	[sflag:s26] =	ssyncadd.s32 $0xFFFFF800  }
0x7a: {  	[spmem:s2] =	stream.indirect.scatter.add.f32 [tilespmem:s15], [sflag:$0x5], $0x10, s16, s14, $0xb8;
	[tilespmem:$0x6000] =	vst v63  }
0x7b: {  	_ =	swait.ge [sflag:s28], $0x800  }
0x7c: {  	[sflag:s28] =	ssyncset.done $0x0  }
0x7d: {  	s16 =	sadd.s32 $0x680, s0;
	[sflag:s28] =	ssyncadd.s32 $0xFFFFF800  }
0x7e: {  	[spmem:s2] =	stream.indirect.scatter.add.f32 [tilespmem:s15], [sflag:$0x6], $0x10, s16, s14, $0xb8;
	[tilespmem:$0x6000] =	vst v63  }
0x7f: {  	_ =	swait.ge [sflag:s29], $0x800  }
0x80: {  	[sflag:s29] =	ssyncset.done $0x0  }
.Ltmp2:
0x81: {  	s16 =	sadd.s32 $0x700, s0;
	[sflag:s29] =	ssyncadd.s32 $0xFFFFF800;
	(pc) =	sbr.rel @p0 .LBB2_6-.Ltmp2, $4  }
0x82: {  	[spmem:s2] =	stream.indirect.scatter.add.f32 [tilespmem:s15], [sflag:$0x7], $0x10, s16, s14, $0xb8;
	[tilespmem:$0x6000] =	vst v63  }
0x83: {  	_ =	swait.ge [sflag:s30], $0x800  }
0x84: {  	[sflag:s30] =	ssyncset.done $0x0  }
0x85: {  	s0 =	sadd.s32 $0x780, s0;
	[sflag:s30] =	ssyncadd.s32 $0xFFFFF800  }
0x86: {  	[spmem:s2] =	stream.indirect.scatter.add.f32 [tilespmem:s15], [sflag:$0x8], $0x10, s0, s14, $0xb8;
	[tilespmem:$0x6000] =	vst v63  }
0x87: {  	_ =	swait.ge [sflag:s22], $0x800  }
0x88: {  	[sflag:s22] =	ssyncset.done $0x0  }
0x89: {  	[sflag:s22] =	ssyncadd.s32 $0xFFFFF800  }
0x8a: {  	_ =	swait.ge [sflag:s23], $0x800  }
0x8b: {  	[sflag:s23] =	ssyncset.done $0x0  }
0x8c: {  	[sflag:s23] =	ssyncadd.s32 $0xFFFFF800  }
0x8d: {  	_ =	swait.ge [sflag:s24], $0x800  }
0x8e: {  	[sflag:s24] =	ssyncset.done $0x0  }
0x8f: {  	[sflag:s24] =	ssyncadd.s32 $0xFFFFF800  }
0x90: {  	_ =	swait.ge [sflag:s25], $0x800  }
0x91: {  	[sflag:s25] =	ssyncset.done $0x0  }
0x92: {  	[sflag:s25] =	ssyncadd.s32 $0xFFFFF800  }
0x93: {  	_ =	swait.ge [sflag:s26], $0x800  }
0x94: {  	[sflag:s26] =	ssyncset.done $0x0  }
0x95: {  	[sflag:s26] =	ssyncadd.s32 $0xFFFFF800  }
0x96: {  	_ =	swait.ge [sflag:s28], $0x800  }
0x97: {  	[sflag:s28] =	ssyncset.done $0x0  }
0x98: {  	[sflag:s28] =	ssyncadd.s32 $0xFFFFF800  }
0x99: {  	_ =	swait.ge [sflag:s29], $0x800  }
0x9a: {  	[sflag:s29] =	ssyncset.done $0x0  }
0x9b: {  	[sflag:s29] =	ssyncadd.s32 $0xFFFFF800  }
0x9c: {  	s16 =	stileid.u32;
	_ =	swait.ge [sflag:s30], $0x800  }
0x9d: {  	s1 =	sshrl.u32 s4, $0x3;
	s3 =	sadd.s32 $0x1, s3;
	[sflag:s30] =	ssyncset.done $0x0  }
0x9e: {  	s0 =	sshll.u32 s16, $0x6;
	p0 =	sne.s32 s3, s7;
	[sflag:s30] =	ssyncadd.s32 $0xFFFFF800  }
.Ltmp3:
0x9f: {  	s0 =	sor.u32 $0x1C09, s0;
	[bflag:$0x0] =	sbarrier.arrive $0xFFFF;
	(pc) =	sbr.rel @p0 .LBB2_1-.Ltmp3, $4  }
0xa0: {  	[hbm:s6@s31], [sflag:s0] =	dma.strided [spmem:s1@s23], $0x500, s22, $0x2   }
0xa1: {  	_ =	swait.ge [sflag:s13], $0x500  }
0xa2: {  	[sflag:s13] =	ssyncset.done $0x0  }
0xa3: {  	[sflag:s13] =	ssyncadd.s32 $0xFFFFFB00  }
0xa4: {  	_ =	sfence.sel $0x180000  }
0xa5: {  	[bflag:$0x0] =	sbarrier.arrive $0xFFFF  }
0xa6: {  	_ =	strace $0x90000047  }
0xa7: {  	s0 =	stileid.u32;
	[bflag:$0x2] =	sbarrier.arrive $0xFFFF  }
0xa8: {  	p0 =	sne.s32 s0, $0x0;
	s0 =	rddreg [dreg:$0x2]  }
0xa9: {  	s0 =	sadd.s32 @!p0 $0x100000, s0  }
0xaa: {  	[sflag:s0] =	ssyncadd.tile.s32 @!p0 $0x1;
	_ =	shalt  }
.Lfunc_end2:
_tile_overlayer_lowered:
.L_overlay_start_2:
0xab: {  	(tag) =	ssettag $0x2  }
0xac: {  	s0 =	rddreg [dreg:$0x0];
	s2 =	stileid.u32  }
0xad: {  	s1 =	rddreg [dreg:$0x1];
	p0 =	sne.s32 s2, $0x0  }
0xae: {  	s3 =	rddreg [dreg:$0x2];
	[bflag:$0x3] =	sbarrier.arrive $0xFFFF;
	s2 =	simm.s32 @!p0 $0x1C09  }
0xaf: {  	[timem:s3], [sflag:s2] =	dma.local @!p0 [hbm:s0], s1  }
0xb0: {  	s0 =	simm.s32 @!p0 $0x9  }
0xb1: {  	_ =	swait.ge @!p0 [sflag:s0], s1  }
0xb2: {  	s1 =	ssub.s32 @!p0 $0x0, s1;
	[sflag:s0] =	ssyncset.done @!p0 $0x0  }
0xb3: {  	[sflag:s0] =	ssyncadd.s32 @!p0 s1  }
0xb4: {  	[bflag:$0x3] =	sbarrier.arrive $0xFFFF  }
0xb5: {  	_ =	shalt  }

</sc_bundles>
